<compile_context>
chip_gen: v7x
topology: tpu7x:2x2x1
jax: 0.10.2.dev20260603
libtpu: 0.0.44.dev20260713+nightly
codegen_flags: <defaults>
</compile_context>

<pallas_src>
import functools

import jax
import jax.numpy as jnp
from jax import lax
from jax.experimental import pallas as pl
from jax.experimental.pallas import tpu as pltpu
from jax.experimental.pallas import tpu_sc as plsc

_T = 10.0
_PERCENT_ON = 0.05
_L = 16


def _searchsorted16(buf_v, u, n, n_steps):
    lo = jnp.zeros((_L,), jnp.int32)
    hi = jnp.full((_L,), n, jnp.int32)
    for _ in range(n_steps):
        mid = (lo + hi) >> 1
        c = plsc.load_gather(buf_v, [mid])
        p = (c < u).astype(jnp.int32)
        lo = lo + p * (mid + 1 - lo)
        hi = mid + p * (hi - mid)
    return lo


def _make_sc_sampler(n_rows, n, k_pad):
    n_steps = (n + 1 - 1).bit_length()
    mesh = plsc.VectorSubcoreMesh(core_axis_name="c", subcore_axis_name="s")
    info = plsc.get_sparse_core_info()
    nw = info.num_cores * info.num_subcores
    rows_per_w = n_rows // nw
    groups = k_pad // _L

    @functools.partial(
        pl.kernel,
        mesh=mesh,
        out_type=jax.ShapeDtypeStruct((n_rows * n,), jnp.float32),
        scratch_types=[
            pltpu.VMEM((n + _L,), jnp.float32),
            pltpu.VMEM((k_pad,), jnp.float32),
            pltpu.VMEM((k_pad,), jnp.int32),
            pltpu.VMEM((k_pad,), jnp.float32),
        ],
        compiler_params=pltpu.CompilerParams(needs_layout_passes=False),
    )
    def sampler(cn_hbm, su_hbm, x_hbm, out_hbm, buf_v, su_v, idx_v, val_v):
        wid = lax.axis_index("s") * info.num_cores + lax.axis_index("c")

        def row_body(r, _):
            row = wid * rows_per_w + r
            pltpu.sync_copy(cn_hbm.at[pl.ds(row * n, n)], buf_v.at[pl.ds(0, n)])
            pltpu.sync_copy(su_hbm.at[pl.ds(row * k_pad, k_pad)], su_v)

            def search_body(g, _):
                for h in range(2):
                    o = (g * 2 + h) * _L
                    u = su_v[pl.ds(o, _L)]
                    idx_v[pl.ds(o, _L)] = _searchsorted16(buf_v, u, n, n_steps)
                return 0

            lax.fori_loop(0, groups // 2, search_body, 0)

            pltpu.sync_copy(x_hbm.at[pl.ds(row * n, n)], buf_v.at[pl.ds(0, n)])

            def gather_body(g, _):
                for h in range(4):
                    o = (g * 4 + h) * _L
                    idx = idx_v[pl.ds(o, _L)]
                    val_v[pl.ds(o, _L)] = plsc.load_gather(buf_v, [idx])
                return 0

            lax.fori_loop(0, groups // 4, gather_body, 0)

            zero = jnp.zeros((_L,), jnp.float32)

            def zero_body(j, _):
                for q in range(10):
                    buf_v[pl.ds((j * 10 + q) * _L, _L)] = zero
                return 0

            lax.fori_loop(0, n // (10 * _L), zero_body, 0)

            def scatter_body(g, _):
                for h in range(4):
                    o = (g * 4 + h) * _L
                    idx = idx_v[pl.ds(o, _L)]
                    val = val_v[pl.ds(o, _L)]
                    plsc.store_scatter(buf_v, [idx], val)
                return 0

            lax.fori_loop(0, groups // 4, scatter_body, 0)

            pltpu.sync_copy(buf_v.at[pl.ds(0, n)], out_hbm.at[pl.ds(row * n, n)])
            return 0

        lax.fori_loop(0, rows_per_w, row_body, 0)

    return sampler


def kernel(x):
    b, n = x.shape
    k = int(round(n * _PERCENT_ON))
    k_pad = -(-k // 128) * 128

    probs = jax.nn.softmax(x / _T, axis=-1)
    cdf = jnp.cumsum(probs, axis=-1)
    cn = cdf / cdf[..., -1:]

    u = jax.random.uniform(jax.random.key(42), (b, k), dtype=x.dtype)
    su = jnp.sort(u, axis=-1)
    su = jnp.concatenate([su, jnp.full((b, k_pad - k), 2.0, x.dtype)], axis=-1)

    out_flat = _make_sc_sampler(b, n, k_pad)(
        cn.reshape(-1), su.reshape(-1), x.reshape(-1)
    )
    return out_flat.reshape(b, n)

# --- scband reference (transcript-rebuilt; emitter-appended) ---
"""Pipeline reference for scband-sampled-kwinners-56014963475115 (READ-ONLY COPY).

The authoritative reference and input builder live on the scoring server;
editing this copy changes nothing except your own understanding.
"""

import jax, jax.numpy as jnp
import numpy as np

PERCENT_ON = 0.05
TEMPERATURE = 10.0  # training-mode temperature (module defaults to training=True)
RELU = False


def setup_inputs(seed: int = 0) -> dict:
    key = jax.random.key(seed)
    x = jax.random.normal(key, (1024, 100000), dtype=jnp.float32)
    return {"x": x}


def _sample_categorical_with_replacement(key, probs, k):
    # Equivalent to torch.distributions.Categorical(probs).sample((k,)).T
    # Implemented via inverse-CDF sampling (memory-efficient: avoids the
    # (k, B, N) gumbel broadcast of jax.random.categorical).
    cdf = jnp.cumsum(probs, axis=-1)
    cdf = cdf / cdf[..., -1:]
    u = jax.random.uniform(key, probs.shape[:-1] + (k,), dtype=probs.dtype)
    idx = jax.vmap(lambda c, uu: jnp.searchsorted(c, uu))(cdf, u)
    return jnp.clip(idx, 0, probs.shape[-1] - 1)


def reference(x):
    # SampledKWinners.forward in training mode:
    #   k = round(n * percent_on); sampled_kwinners(x, k, temperature, relu)
    n = x.shape[-1]
    k = int(round(n * PERCENT_ON))
    if RELU:
        x = jax.nn.relu(x)
    probs = jax.nn.softmax(x / TEMPERATURE, axis=-1)
    idx = _sample_categorical_with_replacement(jax.random.key(42), probs, k)  # (B, k)
    mask = jnp.zeros_like(x)
    mask = jax.vmap(lambda m, i: m.at[i].set(1.0))(mask, idx)  # scatter-overwrite along last dim
    return x * mask

if __name__ == "__main__":
    import jax
    _d = setup_inputs()
    print(jax.jit(kernel)(*tuple(_d.values())))

</pallas_src>

<mosaic_0001>
#map = affine_map<(d0, d1) -> (0)>
module attributes {stable_mosaic.version = 14 : i64} {
  func.func @sampler(%arg0: i32, %arg1: i32, %arg2: memref<102400000xf32, #tpu.memory_space<hbm>>, %arg3: memref<5242880xf32, #tpu.memory_space<hbm>>, %arg4: memref<102400000xf32, #tpu.memory_space<hbm>>, %arg5: memref<102400000xf32, #tpu.memory_space<hbm>>, %arg6: memref<100016xf32, #tpu.memory_space<vmem>>, %arg7: memref<5120xf32, #tpu.memory_space<vmem>>, %arg8: memref<5120xi32, #tpu.memory_space<vmem>>, %arg9: memref<5120xf32, #tpu.memory_space<vmem>>) attributes {dimension_semantics = [#tpu.dimension_semantics<core_parallel>, #tpu.dimension_semantics<subcore_parallel>], iteration_bounds = array<i64: 2, 16>, scalar_prefetch = 0 : i64, scratch_operands = 4 : i64, tpu.core_type = #tpu.core_type<sc_vector_subcore>, window_params = [{transform_indices = #map}, {transform_indices = #map}, {transform_indices = #map}, {transform_indices = #map}]} {
    %mul3A = arith.constant 2 : i32
    %mul3A_0 = arith.muli %arg1, %mul3A : i32
    %add3A = arith.addi %mul3A_0, %arg0 : i32
    %scan3A = arith.constant 0 : i32
    %scan3A_1 = arith.constant 0 : i32
    %scan3A_2 = arith.constant 32 : i32
    %scan3A_3 = arith.addi %scan3A_1, %scan3A_2 : i32
    %scan3A_4 = arith.constant 1 : i32
    %scan3A_5 = scf.for %scan3A_7 = %scan3A_1 to %scan3A_3 step %scan3A_4 iter_args(%scan3A_8 = %scan3A) -> (i32)  : i32 {
      %mul3A_9 = arith.constant 32 : i32
      %mul3A_10 = arith.muli %add3A, %mul3A_9 : i32
      %add3A_11 = arith.addi %mul3A_10, %scan3A_7 : i32
      %mul3A_12 = arith.constant 100000 : i32
      %mul3A_13 = arith.muli %add3A_11, %mul3A_12 : i32
      "tpu.region"() ({
        %run_scoped3A = tpu.sem_alloc : memref<!tpu.dma_semaphore, #tpu.memory_space<semaphore_mem>>
        %dma_start3A = arith.constant 0 : i32
        %dma_start3A_50 = tpu.memref_slice %arg6[%dma_start3A] : memref<100016xf32, #tpu.memory_space<vmem>> -> memref<100000xf32, #tpu.memory_space<vmem>>
        %dma_start3A_51 = tpu.memref_slice %arg2[%mul3A_13] : memref<102400000xf32, #tpu.memory_space<hbm>> -> memref<100000xf32, #tpu.memory_space<hbm>>
        %dma_start3A_52 = arith.constant 0 : i32
        %dma_start3A_53 = tpu.memref_slice %arg6[%dma_start3A_52] : memref<100016xf32, #tpu.memory_space<vmem>> -> memref<100000xf32, #tpu.memory_space<vmem>>
        %dma_start3A_54 = tpu.memref_slice %arg2[%mul3A_13] : memref<102400000xf32, #tpu.memory_space<hbm>> -> memref<100000xf32, #tpu.memory_space<hbm>>
        tpu.enqueue_dma source(%dma_start3A_54 : memref<100000xf32, #tpu.memory_space<hbm>>) target(%dma_start3A_53 : memref<100000xf32, #tpu.memory_space<vmem>>) target_semaphore(%run_scoped3A : memref<!tpu.dma_semaphore, #tpu.memory_space<semaphore_mem>>)
        %dma_wait3A = arith.constant 0 : i32
        %dma_wait3A_55 = tpu.memref_slice %arg6[%dma_wait3A] : memref<100016xf32, #tpu.memory_space<vmem>> -> memref<100000xf32, #tpu.memory_space<vmem>>
        %dma_wait3A_56 = tpu.memref_slice %arg2[%mul3A_13] : memref<102400000xf32, #tpu.memory_space<hbm>> -> memref<100000xf32, #tpu.memory_space<hbm>>
        %dma_wait3A_57 = arith.constant 0 : i32
        %dma_wait3A_58 = tpu.memref_slice %arg6[%dma_wait3A_57] : memref<100016xf32, #tpu.memory_space<vmem>> -> memref<100000xf32, #tpu.memory_space<vmem>>
        %dma_wait3A_59 = tpu.memref_slice %arg2[%mul3A_13] : memref<102400000xf32, #tpu.memory_space<hbm>> -> memref<100000xf32, #tpu.memory_space<hbm>>
        tpu.wait_dma2 semaphore(%run_scoped3A : memref<!tpu.dma_semaphore, #tpu.memory_space<semaphore_mem>>) src(%dma_wait3A_59 : memref<100000xf32, #tpu.memory_space<hbm>>) dst(%dma_wait3A_58 : memref<100000xf32, #tpu.memory_space<vmem>>)
        tpu.yield
      }) : () -> ()
      %mul3A_14 = arith.constant 5120 : i32
      %mul3A_15 = arith.muli %add3A_11, %mul3A_14 : i32
      "tpu.region"() ({
        %run_scoped3A = tpu.sem_alloc : memref<!tpu.dma_semaphore, #tpu.memory_space<semaphore_mem>>
        %dma_start3A = tpu.memref_slice %arg3[%mul3A_15] : memref<5242880xf32, #tpu.memory_space<hbm>> -> memref<5120xf32, #tpu.memory_space<hbm>>
        %dma_start3A_50 = tpu.memref_slice %arg3[%mul3A_15] : memref<5242880xf32, #tpu.memory_space<hbm>> -> memref<5120xf32, #tpu.memory_space<hbm>>
        tpu.enqueue_dma source(%dma_start3A_50 : memref<5120xf32, #tpu.memory_space<hbm>>) target(%arg7 : memref<5120xf32, #tpu.memory_space<vmem>>) target_semaphore(%run_scoped3A : memref<!tpu.dma_semaphore, #tpu.memory_space<semaphore_mem>>)
        %dma_wait3A = tpu.memref_slice %arg3[%mul3A_15] : memref<5242880xf32, #tpu.memory_space<hbm>> -> memref<5120xf32, #tpu.memory_space<hbm>>
        %dma_wait3A_51 = tpu.memref_slice %arg3[%mul3A_15] : memref<5242880xf32, #tpu.memory_space<hbm>> -> memref<5120xf32, #tpu.memory_space<hbm>>
        tpu.wait_dma2 semaphore(%run_scoped3A : memref<!tpu.dma_semaphore, #tpu.memory_space<semaphore_mem>>) src(%dma_wait3A_51 : memref<5120xf32, #tpu.memory_space<hbm>>) dst(%arg7 : memref<5120xf32, #tpu.memory_space<vmem>>)
        tpu.yield
      }) : () -> ()
      %scan3A_16 = arith.constant 0 : i32
      %scan3A_17 = arith.constant 0 : i32
      %scan3A_18 = arith.constant 160 : i32
      %scan3A_19 = arith.addi %scan3A_17, %scan3A_18 : i32
      %scan3A_20 = arith.constant 1 : i32
      %scan3A_21 = scf.for %scan3A_50 = %scan3A_17 to %scan3A_19 step %scan3A_20 iter_args(%scan3A_51 = %scan3A_16) -> (i32)  : i32 {
        %mul3A_52 = arith.constant 2 : i32
        %mul3A_53 = arith.muli %scan3A_50, %mul3A_52 : i32
        %add3A_54 = arith.constant 0 : i32
        %add3A_55 = arith.addi %mul3A_53, %add3A_54 : i32
        %mul3A_56 = arith.constant 16 : i32
        %mul3A_57 = arith.muli %add3A_55, %mul3A_56 : i32
        %get3A = arith.index_cast %mul3A_57 : i32 to index
        %get3A_58 = tpu.vector_load %arg7[%get3A] {strides = array<i32>} : memref<5120xf32, #tpu.memory_space<vmem>>, vector<16xf32>,
        %broadcast_in_dim3A_59 = arith.constant 0 : i32
        %broadcast_in_dim3A_60 = vector.broadcast %broadcast_in_dim3A_59 : i32 to vector<16xi32>
        %broadcast_in_dim3A_61 = arith.constant 100000 : i32
        %broadcast_in_dim3A_62 = vector.broadcast %broadcast_in_dim3A_61 : i32 to vector<16xi32>
        %add3A_63 = arith.addi %broadcast_in_dim3A_60, %broadcast_in_dim3A_62 : vector<16xi32>
        %shift_right_arithmetic3A = arith.constant 1 : i32
        %shift_right_arithmetic3A_64 = vector.broadcast %shift_right_arithmetic3A : i32 to vector<16xi32>
        %shift_right_arithmetic3A_65 = arith.shrsi %add3A_63, %shift_right_arithmetic3A_64 : vector<16xi32>
        %gather3A = tpu.vector_load_idx %arg6[%shift_right_arithmetic3A_65] : memref<100016xf32, #tpu.memory_space<vmem>>[vector<16xi32>], vector<16xf32>,
        %lt3A = arith.cmpf olt, %gather3A, %get3A_58 : vector<16xf32>
        %convert_element_type3A = arith.extui %lt3A : vector<16xi1> to vector<16xi32>
        %add3A_66 = arith.constant 1 : i32
        %add3A_67 = vector.broadcast %add3A_66 : i32 to vector<16xi32>
        %add3A_68 = arith.addi %shift_right_arithmetic3A_65, %add3A_67 : vector<16xi32>
        %sub3A = arith.subi %add3A_68, %broadcast_in_dim3A_60 : vector<16xi32>
        %mul3A_69 = arith.muli %convert_element_type3A, %sub3A : vector<16xi32>
        %add3A_70 = arith.addi %broadcast_in_dim3A_60, %mul3A_69 : vector<16xi32>
        %sub3A_71 = arith.subi %broadcast_in_dim3A_62, %shift_right_arithmetic3A_65 : vector<16xi32>
        %mul3A_72 = arith.muli %convert_element_type3A, %sub3A_71 : vector<16xi32>
        %add3A_73 = arith.addi %shift_right_arithmetic3A_65, %mul3A_72 : vector<16xi32>
        %add3A_74 = arith.addi %add3A_70, %add3A_73 : vector<16xi32>
        %shift_right_arithmetic3A_75 = arith.constant 1 : i32
        %shift_right_arithmetic3A_76 = vector.broadcast %shift_right_arithmetic3A_75 : i32 to vector<16xi32>
        %shift_right_arithmetic3A_77 = arith.shrsi %add3A_74, %shift_right_arithmetic3A_76 : vector<16xi32>
        %gather3A_78 = tpu.vector_load_idx %arg6[%shift_right_arithmetic3A_77] : memref<100016xf32, #tpu.memory_space<vmem>>[vector<16xi32>], vector<16xf32>,
        %lt3A_79 = arith.cmpf olt, %gather3A_78, %get3A_58 : vector<16xf32>
        %convert_element_type3A_80 = arith.extui %lt3A_79 : vector<16xi1> to vector<16xi32>
        %add3A_81 = arith.constant 1 : i32
        %add3A_82 = vector.broadcast %add3A_81 : i32 to vector<16xi32>
        %add3A_83 = arith.addi %shift_right_arithmetic3A_77, %add3A_82 : vector<16xi32>
        %sub3A_84 = arith.subi %add3A_83, %add3A_70 : vector<16xi32>
        %mul3A_85 = arith.muli %convert_element_type3A_80, %sub3A_84 : vector<16xi32>
        %add3A_86 = arith.addi %add3A_70, %mul3A_85 : vector<16xi32>
        %sub3A_87 = arith.subi %add3A_73, %shift_right_arithmetic3A_77 : vector<16xi32>
        %mul3A_88 = arith.muli %convert_element_type3A_80, %sub3A_87 : vector<16xi32>
        %add3A_89 = arith.addi %shift_right_arithmetic3A_77, %mul3A_88 : vector<16xi32>
        %add3A_90 = arith.addi %add3A_86, %add3A_89 : vector<16xi32>
        %shift_right_arithmetic3A_91 = arith.constant 1 : i32
        %shift_right_arithmetic3A_92 = vector.broadcast %shift_right_arithmetic3A_91 : i32 to vector<16xi32>
        %shift_right_arithmetic3A_93 = arith.shrsi %add3A_90, %shift_right_arithmetic3A_92 : vector<16xi32>
        %gather3A_94 = tpu.vector_load_idx %arg6[%shift_right_arithmetic3A_93] : memref<100016xf32, #tpu.memory_space<vmem>>[vector<16xi32>], vector<16xf32>,
        %lt3A_95 = arith.cmpf olt, %gather3A_94, %get3A_58 : vector<16xf32>
        %convert_element_type3A_96 = arith.extui %lt3A_95 : vector<16xi1> to vector<16xi32>
        %add3A_97 = arith.constant 1 : i32
        %add3A_98 = vector.broadcast %add3A_97 : i32 to vector<16xi32>
        %add3A_99 = arith.addi %shift_right_arithmetic3A_93, %add3A_98 : vector<16xi32>
        %sub3A_100 = arith.subi %add3A_99, %add3A_86 : vector<16xi32>
        %mul3A_101 = arith.muli %convert_element_type3A_96, %sub3A_100 : vector<16xi32>
        %add3A_102 = arith.addi %add3A_86, %mul3A_101 : vector<16xi32>
        %sub3A_103 = arith.subi %add3A_89, %shift_right_arithmetic3A_93 : vector<16xi32>
        %mul3A_104 = arith.muli %convert_element_type3A_96, %sub3A_103 : vector<16xi32>
        %add3A_105 = arith.addi %shift_right_arithmetic3A_93, %mul3A_104 : vector<16xi32>
        %add3A_106 = arith.addi %add3A_102, %add3A_105 : vector<16xi32>
        %shift_right_arithmetic3A_107 = arith.constant 1 : i32
        %shift_right_arithmetic3A_108 = vector.broadcast %shift_right_arithmetic3A_107 : i32 to vector<16xi32>
        %shift_right_arithmetic3A_109 = arith.shrsi %add3A_106, %shift_right_arithmetic3A_108 : vector<16xi32>
        %gather3A_110 = tpu.vector_load_idx %arg6[%shift_right_arithmetic3A_109] : memref<100016xf32, #tpu.memory_space<vmem>>[vector<16xi32>], vector<16xf32>,
        %lt3A_111 = arith.cmpf olt, %gather3A_110, %get3A_58 : vector<16xf32>
        %convert_element_type3A_112 = arith.extui %lt3A_111 : vector<16xi1> to vector<16xi32>
        %add3A_113 = arith.constant 1 : i32
        %add3A_114 = vector.broadcast %add3A_113 : i32 to vector<16xi32>
        %add3A_115 = arith.addi %shift_right_arithmetic3A_109, %add3A_114 : vector<16xi32>
        %sub3A_116 = arith.subi %add3A_115, %add3A_102 : vector<16xi32>
        %mul3A_117 = arith.muli %convert_element_type3A_112, %sub3A_116 : vector<16xi32>
        %add3A_118 = arith.addi %add3A_102, %mul3A_117 : vector<16xi32>
        %sub3A_119 = arith.subi %add3A_105, %shift_right_arithmetic3A_109 : vector<16xi32>
        %mul3A_120 = arith.muli %convert_element_type3A_112, %sub3A_119 : vector<16xi32>
        %add3A_121 = arith.addi %shift_right_arithmetic3A_109, %mul3A_120 : vector<16xi32>
        %add3A_122 = arith.addi %add3A_118, %add3A_121 : vector<16xi32>
        %shift_right_arithmetic3A_123 = arith.constant 1 : i32
        %shift_right_arithmetic3A_124 = vector.broadcast %shift_right_arithmetic3A_123 : i32 to vector<16xi32>
        %shift_right_arithmetic3A_125 = arith.shrsi %add3A_122, %shift_right_arithmetic3A_124 : vector<16xi32>
        %gather3A_126 = tpu.vector_load_idx %arg6[%shift_right_arithmetic3A_125] : memref<100016xf32, #tpu.memory_space<vmem>>[vector<16xi32>], vector<16xf32>,
        %lt3A_127 = arith.cmpf olt, %gather3A_126, %get3A_58 : vector<16xf32>
        %convert_element_type3A_128 = arith.extui %lt3A_127 : vector<16xi1> to vector<16xi32>
        %add3A_129 = arith.constant 1 : i32
        %add3A_130 = vector.broadcast %add3A_129 : i32 to vector<16xi32>
        %add3A_131 = arith.addi %shift_right_arithmetic3A_125, %add3A_130 : vector<16xi32>
        %sub3A_132 = arith.subi %add3A_131, %add3A_118 : vector<16xi32>
        %mul3A_133 = arith.muli %convert_element_type3A_128, %sub3A_132 : vector<16xi32>
        %add3A_134 = arith.addi %add3A_118, %mul3A_133 : vector<16xi32>
        %sub3A_135 = arith.subi %add3A_121, %shift_right_arithmetic3A_125 : vector<16xi32>
        %mul3A_136 = arith.muli %convert_element_type3A_128, %sub3A_135 : vector<16xi32>
        %add3A_137 = arith.addi %shift_right_arithmetic3A_125, %mul3A_136 : vector<16xi32>
        %add3A_138 = arith.addi %add3A_134, %add3A_137 : vector<16xi32>
        %shift_right_arithmetic3A_139 = arith.constant 1 : i32
        %shift_right_arithmetic3A_140 = vector.broadcast %shift_right_arithmetic3A_139 : i32 to vector<16xi32>
        %shift_right_arithmetic3A_141 = arith.shrsi %add3A_138, %shift_right_arithmetic3A_140 : vector<16xi32>
        %gather3A_142 = tpu.vector_load_idx %arg6[%shift_right_arithmetic3A_141] : memref<100016xf32, #tpu.memory_space<vmem>>[vector<16xi32>], vector<16xf32>,
        %lt3A_143 = arith.cmpf olt, %gather3A_142, %get3A_58 : vector<16xf32>
        %convert_element_type3A_144 = arith.extui %lt3A_143 : vector<16xi1> to vector<16xi32>
        %add3A_145 = arith.constant 1 : i32
        %add3A_146 = vector.broadcast %add3A_145 : i32 to vector<16xi32>
        %add3A_147 = arith.addi %shift_right_arithmetic3A_141, %add3A_146 : vector<16xi32>
        %sub3A_148 = arith.subi %add3A_147, %add3A_134 : vector<16xi32>
        %mul3A_149 = arith.muli %convert_element_type3A_144, %sub3A_148 : vector<16xi32>
        %add3A_150 = arith.addi %add3A_134, %mul3A_149 : vector<16xi32>
        %sub3A_151 = arith.subi %add3A_137, %shift_right_arithmetic3A_141 : vector<16xi32>
        %mul3A_152 = arith.muli %convert_element_type3A_144, %sub3A_151 : vector<16xi32>
        %add3A_153 = arith.addi %shift_right_arithmetic3A_141, %mul3A_152 : vector<16xi32>
        %add3A_154 = arith.addi %add3A_150, %add3A_153 : vector<16xi32>
        %shift_right_arithmetic3A_155 = arith.constant 1 : i32
        %shift_right_arithmetic3A_156 = vector.broadcast %shift_right_arithmetic3A_155 : i32 to vector<16xi32>
        %shift_right_arithmetic3A_157 = arith.shrsi %add3A_154, %shift_right_arithmetic3A_156 : vector<16xi32>
        %gather3A_158 = tpu.vector_load_idx %arg6[%shift_right_arithmetic3A_157] : memref<100016xf32, #tpu.memory_space<vmem>>[vector<16xi32>], vector<16xf32>,
        %lt3A_159 = arith.cmpf olt, %gather3A_158, %get3A_58 : vector<16xf32>
        %convert_element_type3A_160 = arith.extui %lt3A_159 : vector<16xi1> to vector<16xi32>
        %add3A_161 = arith.constant 1 : i32
        %add3A_162 = vector.broadcast %add3A_161 : i32 to vector<16xi32>
        %add3A_163 = arith.addi %shift_right_arithmetic3A_157, %add3A_162 : vector<16xi32>
        %sub3A_164 = arith.subi %add3A_163, %add3A_150 : vector<16xi32>
        %mul3A_165 = arith.muli %convert_element_type3A_160, %sub3A_164 : vector<16xi32>
        %add3A_166 = arith.addi %add3A_150, %mul3A_165 : vector<16xi32>
        %sub3A_167 = arith.subi %add3A_153, %shift_right_arithmetic3A_157 : vector<16xi32>
        %mul3A_168 = arith.muli %convert_element_type3A_160, %sub3A_167 : vector<16xi32>
        %add3A_169 = arith.addi %shift_right_arithmetic3A_157, %mul3A_168 : vector<16xi32>
        %add3A_170 = arith.addi %add3A_166, %add3A_169 : vector<16xi32>
        %shift_right_arithmetic3A_171 = arith.constant 1 : i32
        %shift_right_arithmetic3A_172 = vector.broadcast %shift_right_arithmetic3A_171 : i32 to vector<16xi32>
        %shift_right_arithmetic3A_173 = arith.shrsi %add3A_170, %shift_right_arithmetic3A_172 : vector<16xi32>
        %gather3A_174 = tpu.vector_load_idx %arg6[%shift_right_arithmetic3A_173] : memref<100016xf32, #tpu.memory_space<vmem>>[vector<16xi32>], vector<16xf32>,
        %lt3A_175 = arith.cmpf olt, %gather3A_174, %get3A_58 : vector<16xf32>
        %convert_element_type3A_176 = arith.extui %lt3A_175 : vector<16xi1> to vector<16xi32>
        %add3A_177 = arith.constant 1 : i32
        %add3A_178 = vector.broadcast %add3A_177 : i32 to vector<16xi32>
        %add3A_179 = arith.addi %shift_right_arithmetic3A_173, %add3A_178 : vector<16xi32>
        %sub3A_180 = arith.subi %add3A_179, %add3A_166 : vector<16xi32>
        %mul3A_181 = arith.muli %convert_element_type3A_176, %sub3A_180 : vector<16xi32>
        %add3A_182 = arith.addi %add3A_166, %mul3A_181 : vector<16xi32>
        %sub3A_183 = arith.subi %add3A_169, %shift_right_arithmetic3A_173 : vector<16xi32>
        %mul3A_184 = arith.muli %convert_element_type3A_176, %sub3A_183 : vector<16xi32>
        %add3A_185 = arith.addi %shift_right_arithmetic3A_173, %mul3A_184 : vector<16xi32>
        %add3A_186 = arith.addi %add3A_182, %add3A_185 : vector<16xi32>
        %shift_right_arithmetic3A_187 = arith.constant 1 : i32
        %shift_right_arithmetic3A_188 = vector.broadcast %shift_right_arithmetic3A_187 : i32 to vector<16xi32>
        %shift_right_arithmetic3A_189 = arith.shrsi %add3A_186, %shift_right_arithmetic3A_188 : vector<16xi32>
        %gather3A_190 = tpu.vector_load_idx %arg6[%shift_right_arithmetic3A_189] : memref<100016xf32, #tpu.memory_space<vmem>>[vector<16xi32>], vector<16xf32>,
        %lt3A_191 = arith.cmpf olt, %gather3A_190, %get3A_58 : vector<16xf32>
        %convert_element_type3A_192 = arith.extui %lt3A_191 : vector<16xi1> to vector<16xi32>
        %add3A_193 = arith.constant 1 : i32
        %add3A_194 = vector.broadcast %add3A_193 : i32 to vector<16xi32>
        %add3A_195 = arith.addi %shift_right_arithmetic3A_189, %add3A_194 : vector<16xi32>
        %sub3A_196 = arith.subi %add3A_195, %add3A_182 : vector<16xi32>
        %mul3A_197 = arith.muli %convert_element_type3A_192, %sub3A_196 : vector<16xi32>
        %add3A_198 = arith.addi %add3A_182, %mul3A_197 : vector<16xi32>
        %sub3A_199 = arith.subi %add3A_185, %shift_right_arithmetic3A_189 : vector<16xi32>
        %mul3A_200 = arith.muli %convert_element_type3A_192, %sub3A_199 : vector<16xi32>
        %add3A_201 = arith.addi %shift_right_arithmetic3A_189, %mul3A_200 : vector<16xi32>
        %add3A_202 = arith.addi %add3A_198, %add3A_201 : vector<16xi32>
        %shift_right_arithmetic3A_203 = arith.constant 1 : i32
        %shift_right_arithmetic3A_204 = vector.broadcast %shift_right_arithmetic3A_203 : i32 to vector<16xi32>
        %shift_right_arithmetic3A_205 = arith.shrsi %add3A_202, %shift_right_arithmetic3A_204 : vector<16xi32>
        %gather3A_206 = tpu.vector_load_idx %arg6[%shift_right_arithmetic3A_205] : memref<100016xf32, #tpu.memory_space<vmem>>[vector<16xi32>], vector<16xf32>,
        %lt3A_207 = arith.cmpf olt, %gather3A_206, %get3A_58 : vector<16xf32>
        %convert_element_type3A_208 = arith.extui %lt3A_207 : vector<16xi1> to vector<16xi32>
        %add3A_209 = arith.constant 1 : i32
        %add3A_210 = vector.broadcast %add3A_209 : i32 to vector<16xi32>
        %add3A_211 = arith.addi %shift_right_arithmetic3A_205, %add3A_210 : vector<16xi32>
        %sub3A_212 = arith.subi %add3A_211, %add3A_198 : vector<16xi32>
        %mul3A_213 = arith.muli %convert_element_type3A_208, %sub3A_212 : vector<16xi32>
        %add3A_214 = arith.addi %add3A_198, %mul3A_213 : vector<16xi32>
        %sub3A_215 = arith.subi %add3A_201, %shift_right_arithmetic3A_205 : vector<16xi32>
        %mul3A_216 = arith.muli %convert_element_type3A_208, %sub3A_215 : vector<16xi32>
        %add3A_217 = arith.addi %shift_right_arithmetic3A_205, %mul3A_216 : vector<16xi32>
        %add3A_218 = arith.addi %add3A_214, %add3A_217 : vector<16xi32>
        %shift_right_arithmetic3A_219 = arith.constant 1 : i32
        %shift_right_arithmetic3A_220 = vector.broadcast %shift_right_arithmetic3A_219 : i32 to vector<16xi32>
        %shift_right_arithmetic3A_221 = arith.shrsi %add3A_218, %shift_right_arithmetic3A_220 : vector<16xi32>
        %gather3A_222 = tpu.vector_load_idx %arg6[%shift_right_arithmetic3A_221] : memref<100016xf32, #tpu.memory_space<vmem>>[vector<16xi32>], vector<16xf32>,
        %lt3A_223 = arith.cmpf olt, %gather3A_222, %get3A_58 : vector<16xf32>
        %convert_element_type3A_224 = arith.extui %lt3A_223 : vector<16xi1> to vector<16xi32>
        %add3A_225 = arith.constant 1 : i32
        %add3A_226 = vector.broadcast %add3A_225 : i32 to vector<16xi32>
        %add3A_227 = arith.addi %shift_right_arithmetic3A_221, %add3A_226 : vector<16xi32>
        %sub3A_228 = arith.subi %add3A_227, %add3A_214 : vector<16xi32>
        %mul3A_229 = arith.muli %convert_element_type3A_224, %sub3A_228 : vector<16xi32>
        %add3A_230 = arith.addi %add3A_214, %mul3A_229 : vector<16xi32>
        %sub3A_231 = arith.subi %add3A_217, %shift_right_arithmetic3A_221 : vector<16xi32>
        %mul3A_232 = arith.muli %convert_element_type3A_224, %sub3A_231 : vector<16xi32>
        %add3A_233 = arith.addi %shift_right_arithmetic3A_221, %mul3A_232 : vector<16xi32>
        %add3A_234 = arith.addi %add3A_230, %add3A_233 : vector<16xi32>
        %shift_right_arithmetic3A_235 = arith.constant 1 : i32
        %shift_right_arithmetic3A_236 = vector.broadcast %shift_right_arithmetic3A_235 : i32 to vector<16xi32>
        %shift_right_arithmetic3A_237 = arith.shrsi %add3A_234, %shift_right_arithmetic3A_236 : vector<16xi32>
        %gather3A_238 = tpu.vector_load_idx %arg6[%shift_right_arithmetic3A_237] : memref<100016xf32, #tpu.memory_space<vmem>>[vector<16xi32>], vector<16xf32>,
        %lt3A_239 = arith.cmpf olt, %gather3A_238, %get3A_58 : vector<16xf32>
        %convert_element_type3A_240 = arith.extui %lt3A_239 : vector<16xi1> to vector<16xi32>
        %add3A_241 = arith.constant 1 : i32
        %add3A_242 = vector.broadcast %add3A_241 : i32 to vector<16xi32>
        %add3A_243 = arith.addi %shift_right_arithmetic3A_237, %add3A_242 : vector<16xi32>
        %sub3A_244 = arith.subi %add3A_243, %add3A_230 : vector<16xi32>
        %mul3A_245 = arith.muli %convert_element_type3A_240, %sub3A_244 : vector<16xi32>
        %add3A_246 = arith.addi %add3A_230, %mul3A_245 : vector<16xi32>
        %sub3A_247 = arith.subi %add3A_233, %shift_right_arithmetic3A_237 : vector<16xi32>
        %mul3A_248 = arith.muli %convert_element_type3A_240, %sub3A_247 : vector<16xi32>
        %add3A_249 = arith.addi %shift_right_arithmetic3A_237, %mul3A_248 : vector<16xi32>
        %add3A_250 = arith.addi %add3A_246, %add3A_249 : vector<16xi32>
        %shift_right_arithmetic3A_251 = arith.constant 1 : i32
        %shift_right_arithmetic3A_252 = vector.broadcast %shift_right_arithmetic3A_251 : i32 to vector<16xi32>
        %shift_right_arithmetic3A_253 = arith.shrsi %add3A_250, %shift_right_arithmetic3A_252 : vector<16xi32>
        %gather3A_254 = tpu.vector_load_idx %arg6[%shift_right_arithmetic3A_253] : memref<100016xf32, #tpu.memory_space<vmem>>[vector<16xi32>], vector<16xf32>,
        %lt3A_255 = arith.cmpf olt, %gather3A_254, %get3A_58 : vector<16xf32>
        %convert_element_type3A_256 = arith.extui %lt3A_255 : vector<16xi1> to vector<16xi32>
        %add3A_257 = arith.constant 1 : i32
        %add3A_258 = vector.broadcast %add3A_257 : i32 to vector<16xi32>
        %add3A_259 = arith.addi %shift_right_arithmetic3A_253, %add3A_258 : vector<16xi32>
        %sub3A_260 = arith.subi %add3A_259, %add3A_246 : vector<16xi32>
        %mul3A_261 = arith.muli %convert_element_type3A_256, %sub3A_260 : vector<16xi32>
        %add3A_262 = arith.addi %add3A_246, %mul3A_261 : vector<16xi32>
        %sub3A_263 = arith.subi %add3A_249, %shift_right_arithmetic3A_253 : vector<16xi32>
        %mul3A_264 = arith.muli %convert_element_type3A_256, %sub3A_263 : vector<16xi32>
        %add3A_265 = arith.addi %shift_right_arithmetic3A_253, %mul3A_264 : vector<16xi32>
        %add3A_266 = arith.addi %add3A_262, %add3A_265 : vector<16xi32>
        %shift_right_arithmetic3A_267 = arith.constant 1 : i32
        %shift_right_arithmetic3A_268 = vector.broadcast %shift_right_arithmetic3A_267 : i32 to vector<16xi32>
        %shift_right_arithmetic3A_269 = arith.shrsi %add3A_266, %shift_right_arithmetic3A_268 : vector<16xi32>
        %gather3A_270 = tpu.vector_load_idx %arg6[%shift_right_arithmetic3A_269] : memref<100016xf32, #tpu.memory_space<vmem>>[vector<16xi32>], vector<16xf32>,
        %lt3A_271 = arith.cmpf olt, %gather3A_270, %get3A_58 : vector<16xf32>
        %convert_element_type3A_272 = arith.extui %lt3A_271 : vector<16xi1> to vector<16xi32>
        %add3A_273 = arith.constant 1 : i32
        %add3A_274 = vector.broadcast %add3A_273 : i32 to vector<16xi32>
        %add3A_275 = arith.addi %shift_right_arithmetic3A_269, %add3A_274 : vector<16xi32>
        %sub3A_276 = arith.subi %add3A_275, %add3A_262 : vector<16xi32>
        %mul3A_277 = arith.muli %convert_element_type3A_272, %sub3A_276 : vector<16xi32>
        %add3A_278 = arith.addi %add3A_262, %mul3A_277 : vector<16xi32>
        %sub3A_279 = arith.subi %add3A_265, %shift_right_arithmetic3A_269 : vector<16xi32>
        %mul3A_280 = arith.muli %convert_element_type3A_272, %sub3A_279 : vector<16xi32>
        %add3A_281 = arith.addi %shift_right_arithmetic3A_269, %mul3A_280 : vector<16xi32>
        %add3A_282 = arith.addi %add3A_278, %add3A_281 : vector<16xi32>
        %shift_right_arithmetic3A_283 = arith.constant 1 : i32
        %shift_right_arithmetic3A_284 = vector.broadcast %shift_right_arithmetic3A_283 : i32 to vector<16xi32>
        %shift_right_arithmetic3A_285 = arith.shrsi %add3A_282, %shift_right_arithmetic3A_284 : vector<16xi32>
        %gather3A_286 = tpu.vector_load_idx %arg6[%shift_right_arithmetic3A_285] : memref<100016xf32, #tpu.memory_space<vmem>>[vector<16xi32>], vector<16xf32>,
        %lt3A_287 = arith.cmpf olt, %gather3A_286, %get3A_58 : vector<16xf32>
        %convert_element_type3A_288 = arith.extui %lt3A_287 : vector<16xi1> to vector<16xi32>
        %add3A_289 = arith.constant 1 : i32
        %add3A_290 = vector.broadcast %add3A_289 : i32 to vector<16xi32>
        %add3A_291 = arith.addi %shift_right_arithmetic3A_285, %add3A_290 : vector<16xi32>
        %sub3A_292 = arith.subi %add3A_291, %add3A_278 : vector<16xi32>
        %mul3A_293 = arith.muli %convert_element_type3A_288, %sub3A_292 : vector<16xi32>
        %add3A_294 = arith.addi %add3A_278, %mul3A_293 : vector<16xi32>
        %sub3A_295 = arith.subi %add3A_281, %shift_right_arithmetic3A_285 : vector<16xi32>
        %mul3A_296 = arith.muli %convert_element_type3A_288, %sub3A_295 : vector<16xi32>
        %add3A_297 = arith.addi %shift_right_arithmetic3A_285, %mul3A_296 : vector<16xi32>
        %add3A_298 = arith.addi %add3A_294, %add3A_297 : vector<16xi32>
        %shift_right_arithmetic3A_299 = arith.constant 1 : i32
        %shift_right_arithmetic3A_300 = vector.broadcast %shift_right_arithmetic3A_299 : i32 to vector<16xi32>
        %shift_right_arithmetic3A_301 = arith.shrsi %add3A_298, %shift_right_arithmetic3A_300 : vector<16xi32>
        %gather3A_302 = tpu.vector_load_idx %arg6[%shift_right_arithmetic3A_301] : memref<100016xf32, #tpu.memory_space<vmem>>[vector<16xi32>], vector<16xf32>,
        %lt3A_303 = arith.cmpf olt, %gather3A_302, %get3A_58 : vector<16xf32>
        %convert_element_type3A_304 = arith.extui %lt3A_303 : vector<16xi1> to vector<16xi32>
        %add3A_305 = arith.constant 1 : i32
        %add3A_306 = vector.broadcast %add3A_305 : i32 to vector<16xi32>
        %add3A_307 = arith.addi %shift_right_arithmetic3A_301, %add3A_306 : vector<16xi32>
        %sub3A_308 = arith.subi %add3A_307, %add3A_294 : vector<16xi32>
        %mul3A_309 = arith.muli %convert_element_type3A_304, %sub3A_308 : vector<16xi32>
        %add3A_310 = arith.addi %add3A_294, %mul3A_309 : vector<16xi32>
        %sub3A_311 = arith.subi %add3A_297, %shift_right_arithmetic3A_301 : vector<16xi32>
        %mul3A_312 = arith.muli %convert_element_type3A_304, %sub3A_311 : vector<16xi32>
        %add3A_313 = arith.addi %shift_right_arithmetic3A_301, %mul3A_312 : vector<16xi32>
        %add3A_314 = arith.addi %add3A_310, %add3A_313 : vector<16xi32>
        %shift_right_arithmetic3A_315 = arith.constant 1 : i32
        %shift_right_arithmetic3A_316 = vector.broadcast %shift_right_arithmetic3A_315 : i32 to vector<16xi32>
        %shift_right_arithmetic3A_317 = arith.shrsi %add3A_314, %shift_right_arithmetic3A_316 : vector<16xi32>
        %gather3A_318 = tpu.vector_load_idx %arg6[%shift_right_arithmetic3A_317] : memref<100016xf32, #tpu.memory_space<vmem>>[vector<16xi32>], vector<16xf32>,
        %lt3A_319 = arith.cmpf olt, %gather3A_318, %get3A_58 : vector<16xf32>
        %convert_element_type3A_320 = arith.extui %lt3A_319 : vector<16xi1> to vector<16xi32>
        %add3A_321 = arith.constant 1 : i32
        %add3A_322 = vector.broadcast %add3A_321 : i32 to vector<16xi32>
        %add3A_323 = arith.addi %shift_right_arithmetic3A_317, %add3A_322 : vector<16xi32>
        %sub3A_324 = arith.subi %add3A_323, %add3A_310 : vector<16xi32>
        %mul3A_325 = arith.muli %convert_element_type3A_320, %sub3A_324 : vector<16xi32>
        %add3A_326 = arith.addi %add3A_310, %mul3A_325 : vector<16xi32>
        %sub3A_327 = arith.subi %add3A_313, %shift_right_arithmetic3A_317 : vector<16xi32>
        %mul3A_328 = arith.muli %convert_element_type3A_320, %sub3A_327 : vector<16xi32>
        %add3A_329 = arith.addi %shift_right_arithmetic3A_317, %mul3A_328 : vector<16xi32>
        %swap3A = arith.index_cast %mul3A_57 : i32 to index
        %swap3A_330 = tpu.vector_load %arg8[%swap3A] {strides = array<i32>} : memref<5120xi32, #tpu.memory_space<vmem>>, vector<16xi32>,
        tpu.vector_store %arg8[%swap3A], %add3A_326 {strides = array<i32>} : memref<5120xi32, #tpu.memory_space<vmem>>, vector<16xi32>,
        %mul3A_331 = arith.constant 2 : i32
        %mul3A_332 = arith.muli %scan3A_50, %mul3A_331 : i32
        %add3A_333 = arith.constant 1 : i32
        %add3A_334 = arith.addi %mul3A_332, %add3A_333 : i32
        %mul3A_335 = arith.constant 16 : i32
        %mul3A_336 = arith.muli %add3A_334, %mul3A_335 : i32
        %get3A_337 = arith.index_cast %mul3A_336 : i32 to index
        %get3A_338 = tpu.vector_load %arg7[%get3A_337] {strides = array<i32>} : memref<5120xf32, #tpu.memory_space<vmem>>, vector<16xf32>,
        %broadcast_in_dim3A_339 = arith.constant 0 : i32
        %broadcast_in_dim3A_340 = vector.broadcast %broadcast_in_dim3A_339 : i32 to vector<16xi32>
        %broadcast_in_dim3A_341 = arith.constant 100000 : i32
        %broadcast_in_dim3A_342 = vector.broadcast %broadcast_in_dim3A_341 : i32 to vector<16xi32>
        %add3A_343 = arith.addi %broadcast_in_dim3A_340, %broadcast_in_dim3A_342 : vector<16xi32>
        %shift_right_arithmetic3A_344 = arith.constant 1 : i32
        %shift_right_arithmetic3A_345 = vector.broadcast %shift_right_arithmetic3A_344 : i32 to vector<16xi32>
        %shift_right_arithmetic3A_346 = arith.shrsi %add3A_343, %shift_right_arithmetic3A_345 : vector<16xi32>
        %gather3A_347 = tpu.vector_load_idx %arg6[%shift_right_arithmetic3A_346] : memref<100016xf32, #tpu.memory_space<vmem>>[vector<16xi32>], vector<16xf32>,
        %lt3A_348 = arith.cmpf olt, %gather3A_347, %get3A_338 : vector<16xf32>
        %convert_element_type3A_349 = arith.extui %lt3A_348 : vector<16xi1> to vector<16xi32>
        %add3A_350 = arith.constant 1 : i32
        %add3A_351 = vector.broadcast %add3A_350 : i32 to vector<16xi32>
        %add3A_352 = arith.addi %shift_right_arithmetic3A_346, %add3A_351 : vector<16xi32>
        %sub3A_353 = arith.subi %add3A_352, %broadcast_in_dim3A_340 : vector<16xi32>
        %mul3A_354 = arith.muli %convert_element_type3A_349, %sub3A_353 : vector<16xi32>
        %add3A_355 = arith.addi %broadcast_in_dim3A_340, %mul3A_354 : vector<16xi32>
        %sub3A_356 = arith.subi %broadcast_in_dim3A_342, %shift_right_arithmetic3A_346 : vector<16xi32>
        %mul3A_357 = arith.muli %convert_element_type3A_349, %sub3A_356 : vector<16xi32>
        %add3A_358 = arith.addi %shift_right_arithmetic3A_346, %mul3A_357 : vector<16xi32>
        %add3A_359 = arith.addi %add3A_355, %add3A_358 : vector<16xi32>
        %shift_right_arithmetic3A_360 = arith.constant 1 : i32
        %shift_right_arithmetic3A_361 = vector.broadcast %shift_right_arithmetic3A_360 : i32 to vector<16xi32>
        %shift_right_arithmetic3A_362 = arith.shrsi %add3A_359, %shift_right_arithmetic3A_361 : vector<16xi32>
        %gather3A_363 = tpu.vector_load_idx %arg6[%shift_right_arithmetic3A_362] : memref<100016xf32, #tpu.memory_space<vmem>>[vector<16xi32>], vector<16xf32>,
        %lt3A_364 = arith.cmpf olt, %gather3A_363, %get3A_338 : vector<16xf32>
        %convert_element_type3A_365 = arith.extui %lt3A_364 : vector<16xi1> to vector<16xi32>
        %add3A_366 = arith.constant 1 : i32
        %add3A_367 = vector.broadcast %add3A_366 : i32 to vector<16xi32>
        %add3A_368 = arith.addi %shift_right_arithmetic3A_362, %add3A_367 : vector<16xi32>
        %sub3A_369 = arith.subi %add3A_368, %add3A_355 : vector<16xi32>
        %mul3A_370 = arith.muli %convert_element_type3A_365, %sub3A_369 : vector<16xi32>
        %add3A_371 = arith.addi %add3A_355, %mul3A_370 : vector<16xi32>
        %sub3A_372 = arith.subi %add3A_358, %shift_right_arithmetic3A_362 : vector<16xi32>
        %mul3A_373 = arith.muli %convert_element_type3A_365, %sub3A_372 : vector<16xi32>
        %add3A_374 = arith.addi %shift_right_arithmetic3A_362, %mul3A_373 : vector<16xi32>
        %add3A_375 = arith.addi %add3A_371, %add3A_374 : vector<16xi32>
        %shift_right_arithmetic3A_376 = arith.constant 1 : i32
        %shift_right_arithmetic3A_377 = vector.broadcast %shift_right_arithmetic3A_376 : i32 to vector<16xi32>
        %shift_right_arithmetic3A_378 = arith.shrsi %add3A_375, %shift_right_arithmetic3A_377 : vector<16xi32>
        %gather3A_379 = tpu.vector_load_idx %arg6[%shift_right_arithmetic3A_378] : memref<100016xf32, #tpu.memory_space<vmem>>[vector<16xi32>], vector<16xf32>,
        %lt3A_380 = arith.cmpf olt, %gather3A_379, %get3A_338 : vector<16xf32>
        %convert_element_type3A_381 = arith.extui %lt3A_380 : vector<16xi1> to vector<16xi32>
        %add3A_382 = arith.constant 1 : i32
        %add3A_383 = vector.broadcast %add3A_382 : i32 to vector<16xi32>
        %add3A_384 = arith.addi %shift_right_arithmetic3A_378, %add3A_383 : vector<16xi32>
        %sub3A_385 = arith.subi %add3A_384, %add3A_371 : vector<16xi32>
        %mul3A_386 = arith.muli %convert_element_type3A_381, %sub3A_385 : vector<16xi32>
        %add3A_387 = arith.addi %add3A_371, %mul3A_386 : vector<16xi32>
        %sub3A_388 = arith.subi %add3A_374, %shift_right_arithmetic3A_378 : vector<16xi32>
        %mul3A_389 = arith.muli %convert_element_type3A_381, %sub3A_388 : vector<16xi32>
        %add3A_390 = arith.addi %shift_right_arithmetic3A_378, %mul3A_389 : vector<16xi32>
        %add3A_391 = arith.addi %add3A_387, %add3A_390 : vector<16xi32>
        %shift_right_arithmetic3A_392 = arith.constant 1 : i32
        %shift_right_arithmetic3A_393 = vector.broadcast %shift_right_arithmetic3A_392 : i32 to vector<16xi32>
        %shift_right_arithmetic3A_394 = arith.shrsi %add3A_391, %shift_right_arithmetic3A_393 : vector<16xi32>
        %gather3A_395 = tpu.vector_load_idx %arg6[%shift_right_arithmetic3A_394] : memref<100016xf32, #tpu.memory_space<vmem>>[vector<16xi32>], vector<16xf32>,
        %lt3A_396 = arith.cmpf olt, %gather3A_395, %get3A_338 : vector<16xf32>
        %convert_element_type3A_397 = arith.extui %lt3A_396 : vector<16xi1> to vector<16xi32>
        %add3A_398 = arith.constant 1 : i32
        %add3A_399 = vector.broadcast %add3A_398 : i32 to vector<16xi32>
        %add3A_400 = arith.addi %shift_right_arithmetic3A_394, %add3A_399 : vector<16xi32>
        %sub3A_401 = arith.subi %add3A_400, %add3A_387 : vector<16xi32>
        %mul3A_402 = arith.muli %convert_element_type3A_397, %sub3A_401 : vector<16xi32>
        %add3A_403 = arith.addi %add3A_387, %mul3A_402 : vector<16xi32>
        %sub3A_404 = arith.subi %add3A_390, %shift_right_arithmetic3A_394 : vector<16xi32>
        %mul3A_405 = arith.muli %convert_element_type3A_397, %sub3A_404 : vector<16xi32>
        %add3A_406 = arith.addi %shift_right_arithmetic3A_394, %mul3A_405 : vector<16xi32>
        %add3A_407 = arith.addi %add3A_403, %add3A_406 : vector<16xi32>
        %shift_right_arithmetic3A_408 = arith.constant 1 : i32
        %shift_right_arithmetic3A_409 = vector.broadcast %shift_right_arithmetic3A_408 : i32 to vector<16xi32>
        %shift_right_arithmetic3A_410 = arith.shrsi %add3A_407, %shift_right_arithmetic3A_409 : vector<16xi32>
        %gather3A_411 = tpu.vector_load_idx %arg6[%shift_right_arithmetic3A_410] : memref<100016xf32, #tpu.memory_space<vmem>>[vector<16xi32>], vector<16xf32>,
        %lt3A_412 = arith.cmpf olt, %gather3A_411, %get3A_338 : vector<16xf32>
        %convert_element_type3A_413 = arith.extui %lt3A_412 : vector<16xi1> to vector<16xi32>
        %add3A_414 = arith.constant 1 : i32
        %add3A_415 = vector.broadcast %add3A_414 : i32 to vector<16xi32>
        %add3A_416 = arith.addi %shift_right_arithmetic3A_410, %add3A_415 : vector<16xi32>
        %sub3A_417 = arith.subi %add3A_416, %add3A_403 : vector<16xi32>
        %mul3A_418 = arith.muli %convert_element_type3A_413, %sub3A_417 : vector<16xi32>
        %add3A_419 = arith.addi %add3A_403, %mul3A_418 : vector<16xi32>
        %sub3A_420 = arith.subi %add3A_406, %shift_right_arithmetic3A_410 : vector<16xi32>
        %mul3A_421 = arith.muli %convert_element_type3A_413, %sub3A_420 : vector<16xi32>
        %add3A_422 = arith.addi %shift_right_arithmetic3A_410, %mul3A_421 : vector<16xi32>
        %add3A_423 = arith.addi %add3A_419, %add3A_422 : vector<16xi32>
        %shift_right_arithmetic3A_424 = arith.constant 1 : i32
        %shift_right_arithmetic3A_425 = vector.broadcast %shift_right_arithmetic3A_424 : i32 to vector<16xi32>
        %shift_right_arithmetic3A_426 = arith.shrsi %add3A_423, %shift_right_arithmetic3A_425 : vector<16xi32>
        %gather3A_427 = tpu.vector_load_idx %arg6[%shift_right_arithmetic3A_426] : memref<100016xf32, #tpu.memory_space<vmem>>[vector<16xi32>], vector<16xf32>,
        %lt3A_428 = arith.cmpf olt, %gather3A_427, %get3A_338 : vector<16xf32>
        %convert_element_type3A_429 = arith.extui %lt3A_428 : vector<16xi1> to vector<16xi32>
        %add3A_430 = arith.constant 1 : i32
        %add3A_431 = vector.broadcast %add3A_430 : i32 to vector<16xi32>
        %add3A_432 = arith.addi %shift_right_arithmetic3A_426, %add3A_431 : vector<16xi32>
        %sub3A_433 = arith.subi %add3A_432, %add3A_419 : vector<16xi32>
        %mul3A_434 = arith.muli %convert_element_type3A_429, %sub3A_433 : vector<16xi32>
        %add3A_435 = arith.addi %add3A_419, %mul3A_434 : vector<16xi32>
        %sub3A_436 = arith.subi %add3A_422, %shift_right_arithmetic3A_426 : vector<16xi32>
        %mul3A_437 = arith.muli %convert_element_type3A_429, %sub3A_436 : vector<16xi32>
        %add3A_438 = arith.addi %shift_right_arithmetic3A_426, %mul3A_437 : vector<16xi32>
        %add3A_439 = arith.addi %add3A_435, %add3A_438 : vector<16xi32>
        %shift_right_arithmetic3A_440 = arith.constant 1 : i32
        %shift_right_arithmetic3A_441 = vector.broadcast %shift_right_arithmetic3A_440 : i32 to vector<16xi32>
        %shift_right_arithmetic3A_442 = arith.shrsi %add3A_439, %shift_right_arithmetic3A_441 : vector<16xi32>
        %gather3A_443 = tpu.vector_load_idx %arg6[%shift_right_arithmetic3A_442] : memref<100016xf32, #tpu.memory_space<vmem>>[vector<16xi32>], vector<16xf32>,
        %lt3A_444 = arith.cmpf olt, %gather3A_443, %get3A_338 : vector<16xf32>
        %convert_element_type3A_445 = arith.extui %lt3A_444 : vector<16xi1> to vector<16xi32>
        %add3A_446 = arith.constant 1 : i32
        %add3A_447 = vector.broadcast %add3A_446 : i32 to vector<16xi32>
        %add3A_448 = arith.addi %shift_right_arithmetic3A_442, %add3A_447 : vector<16xi32>
        %sub3A_449 = arith.subi %add3A_448, %add3A_435 : vector<16xi32>
        %mul3A_450 = arith.muli %convert_element_type3A_445, %sub3A_449 : vector<16xi32>
        %add3A_451 = arith.addi %add3A_435, %mul3A_450 : vector<16xi32>
        %sub3A_452 = arith.subi %add3A_438, %shift_right_arithmetic3A_442 : vector<16xi32>
        %mul3A_453 = arith.muli %convert_element_type3A_445, %sub3A_452 : vector<16xi32>
        %add3A_454 = arith.addi %shift_right_arithmetic3A_442, %mul3A_453 : vector<16xi32>
        %add3A_455 = arith.addi %add3A_451, %add3A_454 : vector<16xi32>
        %shift_right_arithmetic3A_456 = arith.constant 1 : i32
        %shift_right_arithmetic3A_457 = vector.broadcast %shift_right_arithmetic3A_456 : i32 to vector<16xi32>
        %shift_right_arithmetic3A_458 = arith.shrsi %add3A_455, %shift_right_arithmetic3A_457 : vector<16xi32>
        %gather3A_459 = tpu.vector_load_idx %arg6[%shift_right_arithmetic3A_458] : memref<100016xf32, #tpu.memory_space<vmem>>[vector<16xi32>], vector<16xf32>,
        %lt3A_460 = arith.cmpf olt, %gather3A_459, %get3A_338 : vector<16xf32>
        %convert_element_type3A_461 = arith.extui %lt3A_460 : vector<16xi1> to vector<16xi32>
        %add3A_462 = arith.constant 1 : i32
        %add3A_463 = vector.broadcast %add3A_462 : i32 to vector<16xi32>
        %add3A_464 = arith.addi %shift_right_arithmetic3A_458, %add3A_463 : vector<16xi32>
        %sub3A_465 = arith.subi %add3A_464, %add3A_451 : vector<16xi32>
        %mul3A_466 = arith.muli %convert_element_type3A_461, %sub3A_465 : vector<16xi32>
        %add3A_467 = arith.addi %add3A_451, %mul3A_466 : vector<16xi32>
        %sub3A_468 = arith.subi %add3A_454, %shift_right_arithmetic3A_458 : vector<16xi32>
        %mul3A_469 = arith.muli %convert_element_type3A_461, %sub3A_468 : vector<16xi32>
        %add3A_470 = arith.addi %shift_right_arithmetic3A_458, %mul3A_469 : vector<16xi32>
        %add3A_471 = arith.addi %add3A_467, %add3A_470 : vector<16xi32>
        %shift_right_arithmetic3A_472 = arith.constant 1 : i32
        %shift_right_arithmetic3A_473 = vector.broadcast %shift_right_arithmetic3A_472 : i32 to vector<16xi32>
        %shift_right_arithmetic3A_474 = arith.shrsi %add3A_471, %shift_right_arithmetic3A_473 : vector<16xi32>
        %gather3A_475 = tpu.vector_load_idx %arg6[%shift_right_arithmetic3A_474] : memref<100016xf32, #tpu.memory_space<vmem>>[vector<16xi32>], vector<16xf32>,
        %lt3A_476 = arith.cmpf olt, %gather3A_475, %get3A_338 : vector<16xf32>
        %convert_element_type3A_477 = arith.extui %lt3A_476 : vector<16xi1> to vector<16xi32>
        %add3A_478 = arith.constant 1 : i32
        %add3A_479 = vector.broadcast %add3A_478 : i32 to vector<16xi32>
        %add3A_480 = arith.addi %shift_right_arithmetic3A_474, %add3A_479 : vector<16xi32>
        %sub3A_481 = arith.subi %add3A_480, %add3A_467 : vector<16xi32>
        %mul3A_482 = arith.muli %convert_element_type3A_477, %sub3A_481 : vector<16xi32>
        %add3A_483 = arith.addi %add3A_467, %mul3A_482 : vector<16xi32>
        %sub3A_484 = arith.subi %add3A_470, %shift_right_arithmetic3A_474 : vector<16xi32>
        %mul3A_485 = arith.muli %convert_element_type3A_477, %sub3A_484 : vector<16xi32>
        %add3A_486 = arith.addi %shift_right_arithmetic3A_474, %mul3A_485 : vector<16xi32>
        %add3A_487 = arith.addi %add3A_483, %add3A_486 : vector<16xi32>
        %shift_right_arithmetic3A_488 = arith.constant 1 : i32
        %shift_right_arithmetic3A_489 = vector.broadcast %shift_right_arithmetic3A_488 : i32 to vector<16xi32>
        %shift_right_arithmetic3A_490 = arith.shrsi %add3A_487, %shift_right_arithmetic3A_489 : vector<16xi32>
        %gather3A_491 = tpu.vector_load_idx %arg6[%shift_right_arithmetic3A_490] : memref<100016xf32, #tpu.memory_space<vmem>>[vector<16xi32>], vector<16xf32>,
        %lt3A_492 = arith.cmpf olt, %gather3A_491, %get3A_338 : vector<16xf32>
        %convert_element_type3A_493 = arith.extui %lt3A_492 : vector<16xi1> to vector<16xi32>
        %add3A_494 = arith.constant 1 : i32
        %add3A_495 = vector.broadcast %add3A_494 : i32 to vector<16xi32>
        %add3A_496 = arith.addi %shift_right_arithmetic3A_490, %add3A_495 : vector<16xi32>
        %sub3A_497 = arith.subi %add3A_496, %add3A_483 : vector<16xi32>
        %mul3A_498 = arith.muli %convert_element_type3A_493, %sub3A_497 : vector<16xi32>
        %add3A_499 = arith.addi %add3A_483, %mul3A_498 : vector<16xi32>
        %sub3A_500 = arith.subi %add3A_486, %shift_right_arithmetic3A_490 : vector<16xi32>
        %mul3A_501 = arith.muli %convert_element_type3A_493, %sub3A_500 : vector<16xi32>
        %add3A_502 = arith.addi %shift_right_arithmetic3A_490, %mul3A_501 : vector<16xi32>
        %add3A_503 = arith.addi %add3A_499, %add3A_502 : vector<16xi32>
        %shift_right_arithmetic3A_504 = arith.constant 1 : i32
        %shift_right_arithmetic3A_505 = vector.broadcast %shift_right_arithmetic3A_504 : i32 to vector<16xi32>
        %shift_right_arithmetic3A_506 = arith.shrsi %add3A_503, %shift_right_arithmetic3A_505 : vector<16xi32>
        %gather3A_507 = tpu.vector_load_idx %arg6[%shift_right_arithmetic3A_506] : memref<100016xf32, #tpu.memory_space<vmem>>[vector<16xi32>], vector<16xf32>,
        %lt3A_508 = arith.cmpf olt, %gather3A_507, %get3A_338 : vector<16xf32>
        %convert_element_type3A_509 = arith.extui %lt3A_508 : vector<16xi1> to vector<16xi32>
        %add3A_510 = arith.constant 1 : i32
        %add3A_511 = vector.broadcast %add3A_510 : i32 to vector<16xi32>
        %add3A_512 = arith.addi %shift_right_arithmetic3A_506, %add3A_511 : vector<16xi32>
        %sub3A_513 = arith.subi %add3A_512, %add3A_499 : vector<16xi32>
        %mul3A_514 = arith.muli %convert_element_type3A_509, %sub3A_513 : vector<16xi32>
        %add3A_515 = arith.addi %add3A_499, %mul3A_514 : vector<16xi32>
        %sub3A_516 = arith.subi %add3A_502, %shift_right_arithmetic3A_506 : vector<16xi32>
        %mul3A_517 = arith.muli %convert_element_type3A_509, %sub3A_516 : vector<16xi32>
        %add3A_518 = arith.addi %shift_right_arithmetic3A_506, %mul3A_517 : vector<16xi32>
        %add3A_519 = arith.addi %add3A_515, %add3A_518 : vector<16xi32>
        %shift_right_arithmetic3A_520 = arith.constant 1 : i32
        %shift_right_arithmetic3A_521 = vector.broadcast %shift_right_arithmetic3A_520 : i32 to vector<16xi32>
        %shift_right_arithmetic3A_522 = arith.shrsi %add3A_519, %shift_right_arithmetic3A_521 : vector<16xi32>
        %gather3A_523 = tpu.vector_load_idx %arg6[%shift_right_arithmetic3A_522] : memref<100016xf32, #tpu.memory_space<vmem>>[vector<16xi32>], vector<16xf32>,
        %lt3A_524 = arith.cmpf olt, %gather3A_523, %get3A_338 : vector<16xf32>
        %convert_element_type3A_525 = arith.extui %lt3A_524 : vector<16xi1> to vector<16xi32>
        %add3A_526 = arith.constant 1 : i32
        %add3A_527 = vector.broadcast %add3A_526 : i32 to vector<16xi32>
        %add3A_528 = arith.addi %shift_right_arithmetic3A_522, %add3A_527 : vector<16xi32>
        %sub3A_529 = arith.subi %add3A_528, %add3A_515 : vector<16xi32>
        %mul3A_530 = arith.muli %convert_element_type3A_525, %sub3A_529 : vector<16xi32>
        %add3A_531 = arith.addi %add3A_515, %mul3A_530 : vector<16xi32>
        %sub3A_532 = arith.subi %add3A_518, %shift_right_arithmetic3A_522 : vector<16xi32>
        %mul3A_533 = arith.muli %convert_element_type3A_525, %sub3A_532 : vector<16xi32>
        %add3A_534 = arith.addi %shift_right_arithmetic3A_522, %mul3A_533 : vector<16xi32>
        %add3A_535 = arith.addi %add3A_531, %add3A_534 : vector<16xi32>
        %shift_right_arithmetic3A_536 = arith.constant 1 : i32
        %shift_right_arithmetic3A_537 = vector.broadcast %shift_right_arithmetic3A_536 : i32 to vector<16xi32>
        %shift_right_arithmetic3A_538 = arith.shrsi %add3A_535, %shift_right_arithmetic3A_537 : vector<16xi32>
        %gather3A_539 = tpu.vector_load_idx %arg6[%shift_right_arithmetic3A_538] : memref<100016xf32, #tpu.memory_space<vmem>>[vector<16xi32>], vector<16xf32>,
        %lt3A_540 = arith.cmpf olt, %gather3A_539, %get3A_338 : vector<16xf32>
        %convert_element_type3A_541 = arith.extui %lt3A_540 : vector<16xi1> to vector<16xi32>
        %add3A_542 = arith.constant 1 : i32
        %add3A_543 = vector.broadcast %add3A_542 : i32 to vector<16xi32>
        %add3A_544 = arith.addi %shift_right_arithmetic3A_538, %add3A_543 : vector<16xi32>
        %sub3A_545 = arith.subi %add3A_544, %add3A_531 : vector<16xi32>
        %mul3A_546 = arith.muli %convert_element_type3A_541, %sub3A_545 : vector<16xi32>
        %add3A_547 = arith.addi %add3A_531, %mul3A_546 : vector<16xi32>
        %sub3A_548 = arith.subi %add3A_534, %shift_right_arithmetic3A_538 : vector<16xi32>
        %mul3A_549 = arith.muli %convert_element_type3A_541, %sub3A_548 : vector<16xi32>
        %add3A_550 = arith.addi %shift_right_arithmetic3A_538, %mul3A_549 : vector<16xi32>
        %add3A_551 = arith.addi %add3A_547, %add3A_550 : vector<16xi32>
        %shift_right_arithmetic3A_552 = arith.constant 1 : i32
        %shift_right_arithmetic3A_553 = vector.broadcast %shift_right_arithmetic3A_552 : i32 to vector<16xi32>
        %shift_right_arithmetic3A_554 = arith.shrsi %add3A_551, %shift_right_arithmetic3A_553 : vector<16xi32>
        %gather3A_555 = tpu.vector_load_idx %arg6[%shift_right_arithmetic3A_554] : memref<100016xf32, #tpu.memory_space<vmem>>[vector<16xi32>], vector<16xf32>,
        %lt3A_556 = arith.cmpf olt, %gather3A_555, %get3A_338 : vector<16xf32>
        %convert_element_type3A_557 = arith.extui %lt3A_556 : vector<16xi1> to vector<16xi32>
        %add3A_558 = arith.constant 1 : i32
        %add3A_559 = vector.broadcast %add3A_558 : i32 to vector<16xi32>
        %add3A_560 = arith.addi %shift_right_arithmetic3A_554, %add3A_559 : vector<16xi32>
        %sub3A_561 = arith.subi %add3A_560, %add3A_547 : vector<16xi32>
        %mul3A_562 = arith.muli %convert_element_type3A_557, %sub3A_561 : vector<16xi32>
        %add3A_563 = arith.addi %add3A_547, %mul3A_562 : vector<16xi32>
        %sub3A_564 = arith.subi %add3A_550, %shift_right_arithmetic3A_554 : vector<16xi32>
        %mul3A_565 = arith.muli %convert_element_type3A_557, %sub3A_564 : vector<16xi32>
        %add3A_566 = arith.addi %shift_right_arithmetic3A_554, %mul3A_565 : vector<16xi32>
        %add3A_567 = arith.addi %add3A_563, %add3A_566 : vector<16xi32>
        %shift_right_arithmetic3A_568 = arith.constant 1 : i32
        %shift_right_arithmetic3A_569 = vector.broadcast %shift_right_arithmetic3A_568 : i32 to vector<16xi32>
        %shift_right_arithmetic3A_570 = arith.shrsi %add3A_567, %shift_right_arithmetic3A_569 : vector<16xi32>
        %gather3A_571 = tpu.vector_load_idx %arg6[%shift_right_arithmetic3A_570] : memref<100016xf32, #tpu.memory_space<vmem>>[vector<16xi32>], vector<16xf32>,
        %lt3A_572 = arith.cmpf olt, %gather3A_571, %get3A_338 : vector<16xf32>
        %convert_element_type3A_573 = arith.extui %lt3A_572 : vector<16xi1> to vector<16xi32>
        %add3A_574 = arith.constant 1 : i32
        %add3A_575 = vector.broadcast %add3A_574 : i32 to vector<16xi32>
        %add3A_576 = arith.addi %shift_right_arithmetic3A_570, %add3A_575 : vector<16xi32>
        %sub3A_577 = arith.subi %add3A_576, %add3A_563 : vector<16xi32>
        %mul3A_578 = arith.muli %convert_element_type3A_573, %sub3A_577 : vector<16xi32>
        %add3A_579 = arith.addi %add3A_563, %mul3A_578 : vector<16xi32>
        %sub3A_580 = arith.subi %add3A_566, %shift_right_arithmetic3A_570 : vector<16xi32>
        %mul3A_581 = arith.muli %convert_element_type3A_573, %sub3A_580 : vector<16xi32>
        %add3A_582 = arith.addi %shift_right_arithmetic3A_570, %mul3A_581 : vector<16xi32>
        %add3A_583 = arith.addi %add3A_579, %add3A_582 : vector<16xi32>
        %shift_right_arithmetic3A_584 = arith.constant 1 : i32
        %shift_right_arithmetic3A_585 = vector.broadcast %shift_right_arithmetic3A_584 : i32 to vector<16xi32>
        %shift_right_arithmetic3A_586 = arith.shrsi %add3A_583, %shift_right_arithmetic3A_585 : vector<16xi32>
        %gather3A_587 = tpu.vector_load_idx %arg6[%shift_right_arithmetic3A_586] : memref<100016xf32, #tpu.memory_space<vmem>>[vector<16xi32>], vector<16xf32>,
        %lt3A_588 = arith.cmpf olt, %gather3A_587, %get3A_338 : vector<16xf32>
        %convert_element_type3A_589 = arith.extui %lt3A_588 : vector<16xi1> to vector<16xi32>
        %add3A_590 = arith.constant 1 : i32
        %add3A_591 = vector.broadcast %add3A_590 : i32 to vector<16xi32>
        %add3A_592 = arith.addi %shift_right_arithmetic3A_586, %add3A_591 : vector<16xi32>
        %sub3A_593 = arith.subi %add3A_592, %add3A_579 : vector<16xi32>
        %mul3A_594 = arith.muli %convert_element_type3A_589, %sub3A_593 : vector<16xi32>
        %add3A_595 = arith.addi %add3A_579, %mul3A_594 : vector<16xi32>
        %sub3A_596 = arith.subi %add3A_582, %shift_right_arithmetic3A_586 : vector<16xi32>
        %mul3A_597 = arith.muli %convert_element_type3A_589, %sub3A_596 : vector<16xi32>
        %add3A_598 = arith.addi %shift_right_arithmetic3A_586, %mul3A_597 : vector<16xi32>
        %add3A_599 = arith.addi %add3A_595, %add3A_598 : vector<16xi32>
        %shift_right_arithmetic3A_600 = arith.constant 1 : i32
        %shift_right_arithmetic3A_601 = vector.broadcast %shift_right_arithmetic3A_600 : i32 to vector<16xi32>
        %shift_right_arithmetic3A_602 = arith.shrsi %add3A_599, %shift_right_arithmetic3A_601 : vector<16xi32>
        %gather3A_603 = tpu.vector_load_idx %arg6[%shift_right_arithmetic3A_602] : memref<100016xf32, #tpu.memory_space<vmem>>[vector<16xi32>], vector<16xf32>,
        %lt3A_604 = arith.cmpf olt, %gather3A_603, %get3A_338 : vector<16xf32>
        %convert_element_type3A_605 = arith.extui %lt3A_604 : vector<16xi1> to vector<16xi32>
        %add3A_606 = arith.constant 1 : i32
        %add3A_607 = vector.broadcast %add3A_606 : i32 to vector<16xi32>
        %add3A_608 = arith.addi %shift_right_arithmetic3A_602, %add3A_607 : vector<16xi32>
        %sub3A_609 = arith.subi %add3A_608, %add3A_595 : vector<16xi32>
        %mul3A_610 = arith.muli %convert_element_type3A_605, %sub3A_609 : vector<16xi32>
        %add3A_611 = arith.addi %add3A_595, %mul3A_610 : vector<16xi32>
        %sub3A_612 = arith.subi %add3A_598, %shift_right_arithmetic3A_602 : vector<16xi32>
        %mul3A_613 = arith.muli %convert_element_type3A_605, %sub3A_612 : vector<16xi32>
        %add3A_614 = arith.addi %shift_right_arithmetic3A_602, %mul3A_613 : vector<16xi32>
        %swap3A_615 = arith.index_cast %mul3A_336 : i32 to index
        %swap3A_616 = tpu.vector_load %arg8[%swap3A_615] {strides = array<i32>} : memref<5120xi32, #tpu.memory_space<vmem>>, vector<16xi32>,
        tpu.vector_store %arg8[%swap3A_615], %add3A_611 {strides = array<i32>} : memref<5120xi32, #tpu.memory_space<vmem>>, vector<16xi32>,
        %scan3A_617 = arith.constant 0 : i32
        scf.yield %scan3A_617 : i32
      }
      %scan3A_22 = arith.constant 160 : i32
      %mul3A_23 = arith.constant 100000 : i32
      %mul3A_24 = arith.muli %add3A_11, %mul3A_23 : i32
      "tpu.region"() ({
        %run_scoped3A = tpu.sem_alloc : memref<!tpu.dma_semaphore, #tpu.memory_space<semaphore_mem>>
        %dma_start3A = arith.constant 0 : i32
        %dma_start3A_50 = tpu.memref_slice %arg6[%dma_start3A] : memref<100016xf32, #tpu.memory_space<vmem>> -> memref<100000xf32, #tpu.memory_space<vmem>>
        %dma_start3A_51 = tpu.memref_slice %arg4[%mul3A_24] : memref<102400000xf32, #tpu.memory_space<hbm>> -> memref<100000xf32, #tpu.memory_space<hbm>>
        %dma_start3A_52 = arith.constant 0 : i32
        %dma_start3A_53 = tpu.memref_slice %arg6[%dma_start3A_52] : memref<100016xf32, #tpu.memory_space<vmem>> -> memref<100000xf32, #tpu.memory_space<vmem>>
        %dma_start3A_54 = tpu.memref_slice %arg4[%mul3A_24] : memref<102400000xf32, #tpu.memory_space<hbm>> -> memref<100000xf32, #tpu.memory_space<hbm>>
        tpu.enqueue_dma source(%dma_start3A_54 : memref<100000xf32, #tpu.memory_space<hbm>>) target(%dma_start3A_53 : memref<100000xf32, #tpu.memory_space<vmem>>) target_semaphore(%run_scoped3A : memref<!tpu.dma_semaphore, #tpu.memory_space<semaphore_mem>>)
        %dma_wait3A = arith.constant 0 : i32
        %dma_wait3A_55 = tpu.memref_slice %arg6[%dma_wait3A] : memref<100016xf32, #tpu.memory_space<vmem>> -> memref<100000xf32, #tpu.memory_space<vmem>>
        %dma_wait3A_56 = tpu.memref_slice %arg4[%mul3A_24] : memref<102400000xf32, #tpu.memory_space<hbm>> -> memref<100000xf32, #tpu.memory_space<hbm>>
        %dma_wait3A_57 = arith.constant 0 : i32
        %dma_wait3A_58 = tpu.memref_slice %arg6[%dma_wait3A_57] : memref<100016xf32, #tpu.memory_space<vmem>> -> memref<100000xf32, #tpu.memory_space<vmem>>
        %dma_wait3A_59 = tpu.memref_slice %arg4[%mul3A_24] : memref<102400000xf32, #tpu.memory_space<hbm>> -> memref<100000xf32, #tpu.memory_space<hbm>>
        tpu.wait_dma2 semaphore(%run_scoped3A : memref<!tpu.dma_semaphore, #tpu.memory_space<semaphore_mem>>) src(%dma_wait3A_59 : memref<100000xf32, #tpu.memory_space<hbm>>) dst(%dma_wait3A_58 : memref<100000xf32, #tpu.memory_space<vmem>>)
        tpu.yield
      }) : () -> ()
      %scan3A_25 = arith.constant 0 : i32
      %scan3A_26 = arith.constant 0 : i32
      %scan3A_27 = arith.constant 80 : i32
      %scan3A_28 = arith.addi %scan3A_26, %scan3A_27 : i32
      %scan3A_29 = arith.constant 1 : i32
      %scan3A_30 = scf.for %scan3A_50 = %scan3A_26 to %scan3A_28 step %scan3A_29 iter_args(%scan3A_51 = %scan3A_25) -> (i32)  : i32 {
        %mul3A_52 = arith.constant 4 : i32
        %mul3A_53 = arith.muli %scan3A_50, %mul3A_52 : i32
        %add3A_54 = arith.constant 0 : i32
        %add3A_55 = arith.addi %mul3A_53, %add3A_54 : i32
        %mul3A_56 = arith.constant 16 : i32
        %mul3A_57 = arith.muli %add3A_55, %mul3A_56 : i32
        %get3A = arith.index_cast %mul3A_57 : i32 to index
        %get3A_58 = tpu.vector_load %arg8[%get3A] {strides = array<i32>} : memref<5120xi32, #tpu.memory_space<vmem>>, vector<16xi32>,
        %gather3A = tpu.vector_load_idx %arg6[%get3A_58] : memref<100016xf32, #tpu.memory_space<vmem>>[vector<16xi32>], vector<16xf32>,
        %swap3A = arith.index_cast %mul3A_57 : i32 to index
        %swap3A_59 = tpu.vector_load %arg9[%swap3A] {strides = array<i32>} : memref<5120xf32, #tpu.memory_space<vmem>>, vector<16xf32>,
        tpu.vector_store %arg9[%swap3A], %gather3A {strides = array<i32>} : memref<5120xf32, #tpu.memory_space<vmem>>, vector<16xf32>,
        %mul3A_60 = arith.constant 4 : i32
        %mul3A_61 = arith.muli %scan3A_50, %mul3A_60 : i32
        %add3A_62 = arith.constant 1 : i32
        %add3A_63 = arith.addi %mul3A_61, %add3A_62 : i32
        %mul3A_64 = arith.constant 16 : i32
        %mul3A_65 = arith.muli %add3A_63, %mul3A_64 : i32
        %get3A_66 = arith.index_cast %mul3A_65 : i32 to index
        %get3A_67 = tpu.vector_load %arg8[%get3A_66] {strides = array<i32>} : memref<5120xi32, #tpu.memory_space<vmem>>, vector<16xi32>,
        %gather3A_68 = tpu.vector_load_idx %arg6[%get3A_67] : memref<100016xf32, #tpu.memory_space<vmem>>[vector<16xi32>], vector<16xf32>,
        %swap3A_69 = arith.index_cast %mul3A_65 : i32 to index
        %swap3A_70 = tpu.vector_load %arg9[%swap3A_69] {strides = array<i32>} : memref<5120xf32, #tpu.memory_space<vmem>>, vector<16xf32>,
        tpu.vector_store %arg9[%swap3A_69], %gather3A_68 {strides = array<i32>} : memref<5120xf32, #tpu.memory_space<vmem>>, vector<16xf32>,
        %mul3A_71 = arith.constant 4 : i32
        %mul3A_72 = arith.muli %scan3A_50, %mul3A_71 : i32
        %add3A_73 = arith.constant 2 : i32
        %add3A_74 = arith.addi %mul3A_72, %add3A_73 : i32
        %mul3A_75 = arith.constant 16 : i32
        %mul3A_76 = arith.muli %add3A_74, %mul3A_75 : i32
        %get3A_77 = arith.index_cast %mul3A_76 : i32 to index
        %get3A_78 = tpu.vector_load %arg8[%get3A_77] {strides = array<i32>} : memref<5120xi32, #tpu.memory_space<vmem>>, vector<16xi32>,
        %gather3A_79 = tpu.vector_load_idx %arg6[%get3A_78] : memref<100016xf32, #tpu.memory_space<vmem>>[vector<16xi32>], vector<16xf32>,
        %swap3A_80 = arith.index_cast %mul3A_76 : i32 to index
        %swap3A_81 = tpu.vector_load %arg9[%swap3A_80] {strides = array<i32>} : memref<5120xf32, #tpu.memory_space<vmem>>, vector<16xf32>,
        tpu.vector_store %arg9[%swap3A_80], %gather3A_79 {strides = array<i32>} : memref<5120xf32, #tpu.memory_space<vmem>>, vector<16xf32>,
        %mul3A_82 = arith.constant 4 : i32
        %mul3A_83 = arith.muli %scan3A_50, %mul3A_82 : i32
        %add3A_84 = arith.constant 3 : i32
        %add3A_85 = arith.addi %mul3A_83, %add3A_84 : i32
        %mul3A_86 = arith.constant 16 : i32
        %mul3A_87 = arith.muli %add3A_85, %mul3A_86 : i32
        %get3A_88 = arith.index_cast %mul3A_87 : i32 to index
        %get3A_89 = tpu.vector_load %arg8[%get3A_88] {strides = array<i32>} : memref<5120xi32, #tpu.memory_space<vmem>>, vector<16xi32>,
        %gather3A_90 = tpu.vector_load_idx %arg6[%get3A_89] : memref<100016xf32, #tpu.memory_space<vmem>>[vector<16xi32>], vector<16xf32>,
        %swap3A_91 = arith.index_cast %mul3A_87 : i32 to index
        %swap3A_92 = tpu.vector_load %arg9[%swap3A_91] {strides = array<i32>} : memref<5120xf32, #tpu.memory_space<vmem>>, vector<16xf32>,
        tpu.vector_store %arg9[%swap3A_91], %gather3A_90 {strides = array<i32>} : memref<5120xf32, #tpu.memory_space<vmem>>, vector<16xf32>,
        %scan3A_93 = arith.constant 0 : i32
        scf.yield %scan3A_93 : i32
      }
      %scan3A_31 = arith.constant 80 : i32
      %broadcast_in_dim3A = arith.constant 0.000000e+00 : f32
      %broadcast_in_dim3A_32 = vector.broadcast %broadcast_in_dim3A : f32 to vector<16xf32>
      %scan3A_33 = arith.constant 0 : i32
      %scan3A_34 = arith.constant 0 : i32
      %scan3A_35 = arith.constant 625 : i32
      %scan3A_36 = arith.addi %scan3A_34, %scan3A_35 : i32
      %scan3A_37 = arith.constant 1 : i32
      %scan3A_38 = scf.for %scan3A_50 = %scan3A_34 to %scan3A_36 step %scan3A_37 iter_args(%scan3A_51 = %scan3A_33) -> (i32)  : i32 {
        %mul3A_52 = arith.constant 10 : i32
        %mul3A_53 = arith.muli %scan3A_50, %mul3A_52 : i32
        %add3A_54 = arith.constant 0 : i32
        %add3A_55 = arith.addi %mul3A_53, %add3A_54 : i32
        %mul3A_56 = arith.constant 16 : i32
        %mul3A_57 = arith.muli %add3A_55, %mul3A_56 : i32
        %swap3A = arith.index_cast %mul3A_57 : i32 to index
        %swap3A_58 = tpu.vector_load %arg6[%swap3A] {strides = array<i32>} : memref<100016xf32, #tpu.memory_space<vmem>>, vector<16xf32>,
        tpu.vector_store %arg6[%swap3A], %broadcast_in_dim3A_32 {strides = array<i32>} : memref<100016xf32, #tpu.memory_space<vmem>>, vector<16xf32>,
        %mul3A_59 = arith.constant 10 : i32
        %mul3A_60 = arith.muli %scan3A_50, %mul3A_59 : i32
        %add3A_61 = arith.constant 1 : i32
        %add3A_62 = arith.addi %mul3A_60, %add3A_61 : i32
        %mul3A_63 = arith.constant 16 : i32
        %mul3A_64 = arith.muli %add3A_62, %mul3A_63 : i32
        %swap3A_65 = arith.index_cast %mul3A_64 : i32 to index
        %swap3A_66 = tpu.vector_load %arg6[%swap3A_65] {strides = array<i32>} : memref<100016xf32, #tpu.memory_space<vmem>>, vector<16xf32>,
        tpu.vector_store %arg6[%swap3A_65], %broadcast_in_dim3A_32 {strides = array<i32>} : memref<100016xf32, #tpu.memory_space<vmem>>, vector<16xf32>,
        %mul3A_67 = arith.constant 10 : i32
        %mul3A_68 = arith.muli %scan3A_50, %mul3A_67 : i32
        %add3A_69 = arith.constant 2 : i32
        %add3A_70 = arith.addi %mul3A_68, %add3A_69 : i32
        %mul3A_71 = arith.constant 16 : i32
        %mul3A_72 = arith.muli %add3A_70, %mul3A_71 : i32
        %swap3A_73 = arith.index_cast %mul3A_72 : i32 to index
        %swap3A_74 = tpu.vector_load %arg6[%swap3A_73] {strides = array<i32>} : memref<100016xf32, #tpu.memory_space<vmem>>, vector<16xf32>,
        tpu.vector_store %arg6[%swap3A_73], %broadcast_in_dim3A_32 {strides = array<i32>} : memref<100016xf32, #tpu.memory_space<vmem>>, vector<16xf32>,
        %mul3A_75 = arith.constant 10 : i32
        %mul3A_76 = arith.muli %scan3A_50, %mul3A_75 : i32
        %add3A_77 = arith.constant 3 : i32
        %add3A_78 = arith.addi %mul3A_76, %add3A_77 : i32
        %mul3A_79 = arith.constant 16 : i32
        %mul3A_80 = arith.muli %add3A_78, %mul3A_79 : i32
        %swap3A_81 = arith.index_cast %mul3A_80 : i32 to index
        %swap3A_82 = tpu.vector_load %arg6[%swap3A_81] {strides = array<i32>} : memref<100016xf32, #tpu.memory_space<vmem>>, vector<16xf32>,
        tpu.vector_store %arg6[%swap3A_81], %broadcast_in_dim3A_32 {strides = array<i32>} : memref<100016xf32, #tpu.memory_space<vmem>>, vector<16xf32>,
        %mul3A_83 = arith.constant 10 : i32
        %mul3A_84 = arith.muli %scan3A_50, %mul3A_83 : i32
        %add3A_85 = arith.constant 4 : i32
        %add3A_86 = arith.addi %mul3A_84, %add3A_85 : i32
        %mul3A_87 = arith.constant 16 : i32
        %mul3A_88 = arith.muli %add3A_86, %mul3A_87 : i32
        %swap3A_89 = arith.index_cast %mul3A_88 : i32 to index
        %swap3A_90 = tpu.vector_load %arg6[%swap3A_89] {strides = array<i32>} : memref<100016xf32, #tpu.memory_space<vmem>>, vector<16xf32>,
        tpu.vector_store %arg6[%swap3A_89], %broadcast_in_dim3A_32 {strides = array<i32>} : memref<100016xf32, #tpu.memory_space<vmem>>, vector<16xf32>,
        %mul3A_91 = arith.constant 10 : i32
        %mul3A_92 = arith.muli %scan3A_50, %mul3A_91 : i32
        %add3A_93 = arith.constant 5 : i32
        %add3A_94 = arith.addi %mul3A_92, %add3A_93 : i32
        %mul3A_95 = arith.constant 16 : i32
        %mul3A_96 = arith.muli %add3A_94, %mul3A_95 : i32
        %swap3A_97 = arith.index_cast %mul3A_96 : i32 to index
        %swap3A_98 = tpu.vector_load %arg6[%swap3A_97] {strides = array<i32>} : memref<100016xf32, #tpu.memory_space<vmem>>, vector<16xf32>,
        tpu.vector_store %arg6[%swap3A_97], %broadcast_in_dim3A_32 {strides = array<i32>} : memref<100016xf32, #tpu.memory_space<vmem>>, vector<16xf32>,
        %mul3A_99 = arith.constant 10 : i32
        %mul3A_100 = arith.muli %scan3A_50, %mul3A_99 : i32
        %add3A_101 = arith.constant 6 : i32
        %add3A_102 = arith.addi %mul3A_100, %add3A_101 : i32
        %mul3A_103 = arith.constant 16 : i32
        %mul3A_104 = arith.muli %add3A_102, %mul3A_103 : i32
        %swap3A_105 = arith.index_cast %mul3A_104 : i32 to index
        %swap3A_106 = tpu.vector_load %arg6[%swap3A_105] {strides = array<i32>} : memref<100016xf32, #tpu.memory_space<vmem>>, vector<16xf32>,
        tpu.vector_store %arg6[%swap3A_105], %broadcast_in_dim3A_32 {strides = array<i32>} : memref<100016xf32, #tpu.memory_space<vmem>>, vector<16xf32>,
        %mul3A_107 = arith.constant 10 : i32
        %mul3A_108 = arith.muli %scan3A_50, %mul3A_107 : i32
        %add3A_109 = arith.constant 7 : i32
        %add3A_110 = arith.addi %mul3A_108, %add3A_109 : i32
        %mul3A_111 = arith.constant 16 : i32
        %mul3A_112 = arith.muli %add3A_110, %mul3A_111 : i32
        %swap3A_113 = arith.index_cast %mul3A_112 : i32 to index
        %swap3A_114 = tpu.vector_load %arg6[%swap3A_113] {strides = array<i32>} : memref<100016xf32, #tpu.memory_space<vmem>>, vector<16xf32>,
        tpu.vector_store %arg6[%swap3A_113], %broadcast_in_dim3A_32 {strides = array<i32>} : memref<100016xf32, #tpu.memory_space<vmem>>, vector<16xf32>,
        %mul3A_115 = arith.constant 10 : i32
        %mul3A_116 = arith.muli %scan3A_50, %mul3A_115 : i32
        %add3A_117 = arith.constant 8 : i32
        %add3A_118 = arith.addi %mul3A_116, %add3A_117 : i32
        %mul3A_119 = arith.constant 16 : i32
        %mul3A_120 = arith.muli %add3A_118, %mul3A_119 : i32
        %swap3A_121 = arith.index_cast %mul3A_120 : i32 to index
        %swap3A_122 = tpu.vector_load %arg6[%swap3A_121] {strides = array<i32>} : memref<100016xf32, #tpu.memory_space<vmem>>, vector<16xf32>,
        tpu.vector_store %arg6[%swap3A_121], %broadcast_in_dim3A_32 {strides = array<i32>} : memref<100016xf32, #tpu.memory_space<vmem>>, vector<16xf32>,
        %mul3A_123 = arith.constant 10 : i32
        %mul3A_124 = arith.muli %scan3A_50, %mul3A_123 : i32
        %add3A_125 = arith.constant 9 : i32
        %add3A_126 = arith.addi %mul3A_124, %add3A_125 : i32
        %mul3A_127 = arith.constant 16 : i32
        %mul3A_128 = arith.muli %add3A_126, %mul3A_127 : i32
        %swap3A_129 = arith.index_cast %mul3A_128 : i32 to index
        %swap3A_130 = tpu.vector_load %arg6[%swap3A_129] {strides = array<i32>} : memref<100016xf32, #tpu.memory_space<vmem>>, vector<16xf32>,
        tpu.vector_store %arg6[%swap3A_129], %broadcast_in_dim3A_32 {strides = array<i32>} : memref<100016xf32, #tpu.memory_space<vmem>>, vector<16xf32>,
        %scan3A_131 = arith.constant 0 : i32
        scf.yield %scan3A_131 : i32
      }
      %scan3A_39 = arith.constant 625 : i32
      %scan3A_40 = arith.constant 0 : i32
      %scan3A_41 = arith.constant 0 : i32
      %scan3A_42 = arith.constant 80 : i32
      %scan3A_43 = arith.addi %scan3A_41, %scan3A_42 : i32
      %scan3A_44 = arith.constant 1 : i32
      %scan3A_45 = scf.for %scan3A_50 = %scan3A_41 to %scan3A_43 step %scan3A_44 iter_args(%scan3A_51 = %scan3A_40) -> (i32)  : i32 {
        %mul3A_52 = arith.constant 4 : i32
        %mul3A_53 = arith.muli %scan3A_50, %mul3A_52 : i32
        %add3A_54 = arith.constant 0 : i32
        %add3A_55 = arith.addi %mul3A_53, %add3A_54 : i32
        %mul3A_56 = arith.constant 16 : i32
        %mul3A_57 = arith.muli %add3A_55, %mul3A_56 : i32
        %get3A = arith.index_cast %mul3A_57 : i32 to index
        %get3A_58 = tpu.vector_load %arg8[%get3A] {strides = array<i32>} : memref<5120xi32, #tpu.memory_space<vmem>>, vector<16xi32>,
        %get3A_59 = arith.index_cast %mul3A_57 : i32 to index
        %get3A_60 = tpu.vector_load %arg9[%get3A_59] {strides = array<i32>} : memref<5120xf32, #tpu.memory_space<vmem>>, vector<16xf32>,
        tpu.vector_store_idx %arg6[%get3A_58], %get3A_60 : memref<100016xf32, #tpu.memory_space<vmem>>[vector<16xi32>], vector<16xf32>,
        %mul3A_61 = arith.constant 4 : i32
        %mul3A_62 = arith.muli %scan3A_50, %mul3A_61 : i32
        %add3A_63 = arith.constant 1 : i32
        %add3A_64 = arith.addi %mul3A_62, %add3A_63 : i32
        %mul3A_65 = arith.constant 16 : i32
        %mul3A_66 = arith.muli %add3A_64, %mul3A_65 : i32
        %get3A_67 = arith.index_cast %mul3A_66 : i32 to index
        %get3A_68 = tpu.vector_load %arg8[%get3A_67] {strides = array<i32>} : memref<5120xi32, #tpu.memory_space<vmem>>, vector<16xi32>,
        %get3A_69 = arith.index_cast %mul3A_66 : i32 to index
        %get3A_70 = tpu.vector_load %arg9[%get3A_69] {strides = array<i32>} : memref<5120xf32, #tpu.memory_space<vmem>>, vector<16xf32>,
        tpu.vector_store_idx %arg6[%get3A_68], %get3A_70 : memref<100016xf32, #tpu.memory_space<vmem>>[vector<16xi32>], vector<16xf32>,
        %mul3A_71 = arith.constant 4 : i32
        %mul3A_72 = arith.muli %scan3A_50, %mul3A_71 : i32
        %add3A_73 = arith.constant 2 : i32
        %add3A_74 = arith.addi %mul3A_72, %add3A_73 : i32
        %mul3A_75 = arith.constant 16 : i32
        %mul3A_76 = arith.muli %add3A_74, %mul3A_75 : i32
        %get3A_77 = arith.index_cast %mul3A_76 : i32 to index
        %get3A_78 = tpu.vector_load %arg8[%get3A_77] {strides = array<i32>} : memref<5120xi32, #tpu.memory_space<vmem>>, vector<16xi32>,
        %get3A_79 = arith.index_cast %mul3A_76 : i32 to index
        %get3A_80 = tpu.vector_load %arg9[%get3A_79] {strides = array<i32>} : memref<5120xf32, #tpu.memory_space<vmem>>, vector<16xf32>,
        tpu.vector_store_idx %arg6[%get3A_78], %get3A_80 : memref<100016xf32, #tpu.memory_space<vmem>>[vector<16xi32>], vector<16xf32>,
        %mul3A_81 = arith.constant 4 : i32
        %mul3A_82 = arith.muli %scan3A_50, %mul3A_81 : i32
        %add3A_83 = arith.constant 3 : i32
        %add3A_84 = arith.addi %mul3A_82, %add3A_83 : i32
        %mul3A_85 = arith.constant 16 : i32
        %mul3A_86 = arith.muli %add3A_84, %mul3A_85 : i32
        %get3A_87 = arith.index_cast %mul3A_86 : i32 to index
        %get3A_88 = tpu.vector_load %arg8[%get3A_87] {strides = array<i32>} : memref<5120xi32, #tpu.memory_space<vmem>>, vector<16xi32>,
        %get3A_89 = arith.index_cast %mul3A_86 : i32 to index
        %get3A_90 = tpu.vector_load %arg9[%get3A_89] {strides = array<i32>} : memref<5120xf32, #tpu.memory_space<vmem>>, vector<16xf32>,
        tpu.vector_store_idx %arg6[%get3A_88], %get3A_90 : memref<100016xf32, #tpu.memory_space<vmem>>[vector<16xi32>], vector<16xf32>,
        %scan3A_91 = arith.constant 0 : i32
        scf.yield %scan3A_91 : i32
      }
      %scan3A_46 = arith.constant 80 : i32
      %mul3A_47 = arith.constant 100000 : i32
      %mul3A_48 = arith.muli %add3A_11, %mul3A_47 : i32
      "tpu.region"() ({
        %run_scoped3A = tpu.sem_alloc : memref<!tpu.dma_semaphore, #tpu.memory_space<semaphore_mem>>
        %dma_start3A = arith.constant 0 : i32
        %dma_start3A_50 = tpu.memref_slice %arg6[%dma_start3A] : memref<100016xf32, #tpu.memory_space<vmem>> -> memref<100000xf32, #tpu.memory_space<vmem>>
        %dma_start3A_51 = tpu.memref_slice %arg5[%mul3A_48] : memref<102400000xf32, #tpu.memory_space<hbm>> -> memref<100000xf32, #tpu.memory_space<hbm>>
        %dma_start3A_52 = tpu.memref_slice %arg5[%mul3A_48] : memref<102400000xf32, #tpu.memory_space<hbm>> -> memref<100000xf32, #tpu.memory_space<hbm>>
        %dma_start3A_53 = arith.constant 0 : i32
        %dma_start3A_54 = tpu.memref_slice %arg6[%dma_start3A_53] : memref<100016xf32, #tpu.memory_space<vmem>> -> memref<100000xf32, #tpu.memory_space<vmem>>
        tpu.enqueue_dma source(%dma_start3A_54 : memref<100000xf32, #tpu.memory_space<vmem>>) target(%dma_start3A_52 : memref<100000xf32, #tpu.memory_space<hbm>>) target_semaphore(%run_scoped3A : memref<!tpu.dma_semaphore, #tpu.memory_space<semaphore_mem>>)
        %dma_wait3A = arith.constant 0 : i32
        %dma_wait3A_55 = tpu.memref_slice %arg6[%dma_wait3A] : memref<100016xf32, #tpu.memory_space<vmem>> -> memref<100000xf32, #tpu.memory_space<vmem>>
        %dma_wait3A_56 = tpu.memref_slice %arg5[%mul3A_48] : memref<102400000xf32, #tpu.memory_space<hbm>> -> memref<100000xf32, #tpu.memory_space<hbm>>
        %dma_wait3A_57 = tpu.memref_slice %arg5[%mul3A_48] : memref<102400000xf32, #tpu.memory_space<hbm>> -> memref<100000xf32, #tpu.memory_space<hbm>>
        %dma_wait3A_58 = arith.constant 0 : i32
        %dma_wait3A_59 = tpu.memref_slice %arg6[%dma_wait3A_58] : memref<100016xf32, #tpu.memory_space<vmem>> -> memref<100000xf32, #tpu.memory_space<vmem>>
        tpu.wait_dma2 semaphore(%run_scoped3A : memref<!tpu.dma_semaphore, #tpu.memory_space<semaphore_mem>>) src(%dma_wait3A_59 : memref<100000xf32, #tpu.memory_space<vmem>>) dst(%dma_wait3A_57 : memref<100000xf32, #tpu.memory_space<hbm>>)
        tpu.yield
      }) : () -> ()
      %scan3A_49 = arith.constant 0 : i32
      scf.yield %scan3A_49 : i32
    }
    %scan3A_6 = arith.constant 32 : i32
    return
  }
}

</mosaic_0001>

<sc_bundles>
// kernel: kernel.3.cloned.1.call-start
scs
__scs_entry_jumppad:
0x0: {  	(pc) =	sbr.rel $0x88, $3  }
0x1: {  	(tag) =	ssettag $0x0;
	lr =	simm.s32 $0x1  }
0x2: {  	[smem:$0x3FA0] =	sst lr;
	_ =	strace $0xD0000000  }
0x3: {  	_ = 	snop  }
0x4: {  	_ = 	snop  }
0x5: {  	_ = 	snop  }
0x6: {  	_ = 	snop  }
0x7: {  	_ = 	snop  }
__scs_overlays_trampoline_lowered:
0x8: {  	[smem:$0x3FAF] =	sst s0  }
0x9: {  	[smem:$0x3FB0] =	sst s1  }
0xa: {  	[smem:$0x3FB1] =	sst s2  }
0xb: {  	[smem:$0x3FB2] =	sst s3  }
0xc: {  	[smem:$0x3FB3] =	sst s4  }
0xd: {  	[smem:$0x3FB4] =	sst s5  }
0xe: {  	[smem:$0x3FB5] =	sst s6  }
0xf: {  	[smem:$0x3FB6] =	sst s7  }
0x10: {  	[smem:$0x3FB7] =	sst s8  }
0x11: {  	[smem:$0x3FB8] =	sst s9;
	s0 =	simm.s32 @!p0 $0x0  }
0x12: {  	s1 =	sld [smem:$0x3F9E];
	s0 =	simm.s32 @p0 $0x1  }
0x13: {  	[smem:$0x3FB9] =	sst s0;
	s0 =	simm.s32 @!p1 $0x0  }
0x14: {  	s2 =	sld [smem:$0x3F9D];
	s0 =	simm.s32 @p1 $0x1  }
0x15: {  	[smem:$0x3FBA] =	sst s0;
	s0 =	simm.s32 @!p2 $0x0  }
0x16: {  	s3 =	sld [smem:$0x3FDB];
	s0 =	simm.s32 @p2 $0x1  }
0x17: {  	s4 =	simm.s32 $0x1BF5;
	[smem:$0x3FBC] =	sst s0  }
0x18: {  	s0 =	sld [smem:$0x3F9F];
	_ =	swait.ge [sflag:s4], $0x0  }
0x19: {  	s7 =	sld [smem:$0x3FA0]  }
0x1a: {  	s8 =	sadd.s32 $0xFFFFE003, lr  }
0x1b: {  	s9 =	sadd.s32 $0xFFFFFEF7, lr;
	s5 =	simm.s32 $0xFFFFFFFF;
	p2 =	slt.u32 s8, $0xFFFFF086  }
0x1c: {  	p1 =	slt.u32 s9, $0xF7A;
	s5 =	simm.s32 @!p2 $0x0  }
0x1d: {  	s5 =	simm.s32 @p1 $0x1;
	p0 =	seq.s32 s7, s2  }
0x1e: {  	s7 =	smul.u32 @!p0 $0xF7A, s2;
	p2 =	seq.s32 @!p0 s5, $0x0  }
0x1f: {  	s9 =	smul.u32 $0xF7A, s1;
	s8 =	simm.s32 @!p0 $0x1BF5;
	p2 =	por !p2, p0  }
0x20: {  	[sflag:s8] =	ssyncset.s32 @!p0 $0xFFFFF086;
	s6 =	sadd.s32 @!p0 s3, s7;
	s7 =	simm.s32 @!p0 $0x108  }
0x21: {  	s3 =	sadd.s32 s3, s9;
	s6 =	sadd.s32 @!p0 $0x88, s6;
	s7 =	simm.s32 @p2 $0x1082  }
0x22: {  	[simem:s7], [sflag:s8] =	dma.local @!p0 [hbm:s6], $0xF7A  }
0x23: {  	s9 =	sor.u32 $0xD0000000, s2;
	s6 =	simm.s32 $0x108;
	_ =	swait.ge @!p0 [sflag:s8], $0x0  }
0x24: {  	s3 =	sadd.s32 $0x88, s3;
	s6 =	simm.s32 @!p1 $0x1082;
	[sflag:s4] =	ssyncset.s32 $0xFFFFF086  }
0x25: {  	[simem:s6], [sflag:s4] =	dma.local [hbm:s3], $0xF7A  }
0x26: {  	[smem:$0x3FA0] =	sst s1;
	(tag) =	ssettag s2;
	_ =	strace s9  }
0x27: {  	s1 =	sld [smem:$0x3FB0]  }
0x28: {  	s2 =	sld [smem:$0x3FB1]  }
0x29: {  	s4 =	sld [smem:$0x3FB3]  }
0x2a: {  	p0 =	seq.s32 s5, $0x0;
	s5 =	sld [smem:$0x3FB4]  }
0x2b: {  	s6 =	sld [smem:$0x3FB5]  }
0x2c: {  	s7 =	sld [smem:$0x3FB6]  }
0x2d: {  	s3 =	simm.s32 $0x108;
	s8 =	sld [smem:$0x3FB7]  }
0x2e: {  	s3 =	simm.s32 @!p0 $0x1082;
	s9 =	sld [smem:$0x3FB8]  }
0x2f: {  	lr =	sadd.s32 s0, s3;
	s0 =	sld [smem:$0x3FAF]  }
0x30: {  	s3 =	sld [smem:$0x3FB2]  }
0x31: {  	[smem:$0x3FBB] =	sst s10  }
0x32: {  	s10 =	sld [smem:$0x3FB9];
	_ =	sdelay $0x3  }
0x33: {  	p0 =	seq.s32 s10, $0x1;
	s10 =	sld [smem:$0x3FBB];
	_ =	sdelay $0x3  }
0x34: {  	[smem:$0x3FBB] =	sst s10  }
0x35: {  	s10 =	sld [smem:$0x3FBA];
	_ =	sdelay $0x3  }
0x36: {  	p1 =	seq.s32 s10, $0x1;
	s10 =	sld [smem:$0x3FBB];
	_ =	sdelay $0x3  }
0x37: {  	[smem:$0x3FBB] =	sst s10  }
0x38: {  	s10 =	sld [smem:$0x3FBC]  }
0x39: {  	_ = 	snop;
	(pc) =	sbr.ind lr, $3  }
0x3a: {  	_ = 	snop  }
0x3b: {  	_ = 	snop  }
0x3c: {  	p2 =	seq.s32 s10, $0x1;
	s10 =	sld [smem:$0x3FBB]  }
0x3d: {  	_ =	shalt  }
0x3e: {  	_ =	shalt  }
0x3f: {  	_ =	shalt  }
0x40: {  	_ =	shalt  }
0x41: {  	_ =	shalt  }
0x42: {  	_ =	shalt  }
0x43: {  	_ =	shalt  }
0x44: {  	_ =	shalt  }
0x45: {  	_ =	shalt  }
0x46: {  	_ =	shalt  }
0x47: {  	_ =	shalt  }
0x48: {  	_ =	shalt  }
0x49: {  	_ =	shalt  }
0x4a: {  	_ =	shalt  }
0x4b: {  	_ =	shalt  }
0x4c: {  	_ =	shalt  }
0x4d: {  	_ =	shalt  }
0x4e: {  	_ =	shalt  }
0x4f: {  	_ =	shalt  }
0x50: {  	_ =	shalt  }
0x51: {  	_ =	shalt  }
0x52: {  	_ =	shalt  }
0x53: {  	_ =	shalt  }
0x54: {  	_ =	shalt  }
0x55: {  	_ =	shalt  }
0x56: {  	_ =	shalt  }
0x57: {  	_ =	shalt  }
0x58: {  	_ =	shalt  }
0x59: {  	_ =	shalt  }
0x5a: {  	_ =	shalt  }
0x5b: {  	_ =	shalt  }
0x5c: {  	_ =	shalt  }
0x5d: {  	_ =	shalt  }
0x5e: {  	_ =	shalt  }
0x5f: {  	_ =	shalt  }
0x60: {  	_ =	shalt  }
0x61: {  	_ =	shalt  }
0x62: {  	_ =	shalt  }
0x63: {  	_ =	shalt  }
0x64: {  	_ =	shalt  }
0x65: {  	_ =	shalt  }
0x66: {  	_ =	shalt  }
0x67: {  	_ =	shalt  }
0x68: {  	_ =	shalt  }
0x69: {  	_ =	shalt  }
0x6a: {  	_ =	shalt  }
0x6b: {  	_ =	shalt  }
0x6c: {  	_ =	shalt  }
0x6d: {  	_ =	shalt  }
0x6e: {  	_ =	shalt  }
0x6f: {  	_ =	shalt  }
0x70: {  	_ =	shalt  }
0x71: {  	_ =	shalt  }
0x72: {  	_ =	shalt  }
0x73: {  	_ =	shalt  }
0x74: {  	_ =	shalt  }
0x75: {  	_ =	shalt  }
0x76: {  	_ =	shalt  }
0x77: {  	_ =	shalt  }
0x78: {  	_ =	shalt  }
0x79: {  	_ =	shalt  }
0x7a: {  	_ =	shalt  }
0x7b: {  	_ =	shalt  }
0x7c: {  	_ =	shalt  }
0x7d: {  	_ =	shalt  }
0x7e: {  	_ =	shalt  }
0x7f: {  	_ =	shalt  }
0x80: {  	_ =	shalt  }
0x81: {  	_ =	shalt  }
0x82: {  	_ =	shalt  }
0x83: {  	_ =	shalt  }
0x84: {  	_ =	shalt  }
0x85: {  	_ =	shalt  }
0x86: {  	_ =	shalt  }
0x87: {  	_ =	shalt  }
.Lfunc_end0:
.L_simem_size_0:
called_computation.4_lowered:
.L_overlay_start_0:
0x88: {  	s2 =	sld [smem:$0x3FD9]  }
0x89: {  	s3 =	sld [smem:$0x3FFE];
	_ =	sdelay $0x1  }
0x8a: {  	s1 =	srdreg.scid  }
0x8b: {  	s0 =	sand.u32 $0x1, s1  }
0x8c: {  	s17 =	sshll.u32 s0, $0xA;
	s2 =	sadd.s32 s3, s2  }
0x8d: {  	s2 =	sadd.s32 s2, s17  }
0x8e: {  	[smem:$0x3FC7] =	sst s2  }
0x8f: {  	_ = 	snop  }
0x90: {  	s2 =	sld [smem:$0x3FD0];
	(tm) =	ssettm $0x1  }
0x91: {  	s18 =	sld [smem:$0x3FFB];
	_ =	sdelay $0x3  }
0x92: {  	_ =	strace s18  }
0x93: {  	s3 =	sld [smem:$0x3FFC];
	_ =	sdelay $0x3  }
0x94: {  	_ =	strace s3  }
0x95: {  	s3 =	sld [smem:$0x3FFD];
	_ =	sdelay $0x3  }
0x96: {  	_ =	strace s3  }
0x97: {  	_ =	strace $0x8FFFFFFF  }
0x98: {  	s19 =	sld [smem:$0x3FDB];
	_ =	sdelay $0x1  }
0x99: {  	s4 =	simm.s32 $_scs_section_size  }
0x9a: {  	s5 =	simm.s32 $_size__tile_overlayer_lowered;
	s6 =	simm.s32 $_tile_overlayer_lowered  }
0x9b: {  	s22 =	simm.s32 $0x1BFF;
	s21 =	sshll.u32 s6, $0x1;
	s3 =	sadd.s32 s4, s19  }
0x9c: {  	s7 =	simm.s32 $0x0;
	s20 =	sshll.u32 s5, $0x1;
	s5 =	sadd.s32 s21, s3  }
0x9d: {  	[timem:s7], [sflag:s22] =	dma.local [hbm:s5], s20  }
0x9e: {  	_ =	swait.ge [sflag:s22], s20  }
0x9f: {  	s4 =	ssub.s32 $0x0, s20;
	[sflag:s22] =	ssyncset.done $0x0  }
0xa0: {  	[sflag:s22] =	ssyncadd.s32 s4;
	_ =	sdelay $0x1  }
0xa1: {  	s23 =	simm.s32 $0x1B8B  }
0xa2: {  	_ =	swait.ge [sflag:s23], $0x1  }
0xa3: {  	[sflag:s23] =	ssyncset.done $0x0  }
0xa4: {  	s25 =	simm.s32 $0x1B8E;
	s24 =	sld [smem:$0x3FFE];
	[sflag:s23] =	ssyncadd.s32 $0xFFFFFFFF  }
0xa5: {  	s26 =	simm.s32 $execute0_lowered;
	[smem:$0x3FD2] =	sst s25  }
0xa6: {  	s5 =	sshll.u32 s26, $0x1;
	_ =	strace $0x8000004F;
	[dreg:$0x1] =	wrdreg $0xFFFFFFFF  }
0xa7: {  	s28 =	simm.s32 $_size_execute0_lowered;
	s3 =	sadd.s32 s3, s5;
	[dreg:$0x0] =	wrdreg $0x0  }
0xa8: {  	s5 =	sshll.u32 s28, $0x1;
	[dreg:$0x2] =	wrdreg s3  }
0xa9: {  	[dreg:$0x3] =	wrdreg s5  }
0xaa: {  	[dreg:$0x4] =	wrdreg $0xC0  }
0xab: {  	_ =	task [dreg:s7], $0x5FFFF  }
0xac: {  	[dreg:$0x1] =	wrdreg $0xFFFFFFFF  }
0xad: {  	[dreg:$0x0] =	wrdreg $0x60  }
0xae: {  	[dreg:$0x2] =	wrdreg s2  }
0xaf: {  	[dreg:$0x3] =	wrdreg s24  }
0xb0: {  	[dreg:$0x4] =	wrdreg $0x9  }
0xb1: {  	_ =	task.clear_ibuf [dreg:s7], $0x5FFFF;
	_ =	strace $0x9000004F  }
0xb2: {  	s29 =	simm.s32 $0x9;
	_ =	strace $0x80000051  }
0xb3: {  	_ =	swait.ge [sflag:s29], $0x1  }
0xb4: {  	[sflag:s29] =	ssyncadd.s32 $0xFFFFFFFF  }
0xb5: {  	_ =	strace $0x90000051  }
0xb6: {  	_ =	sfence  }
0xb7: {  	s30 =	sld [smem:$0x0];
	_ =	sdelay $0x2  }
0xb8: {  	s31 =	sshll.u32 s1, $0xD;
	s1 =	sshrl.u32 s1, $0x2  }
0xb9: {  	s3 =	sand.u32 $0x4000, s31;
	s1 =	sadd.s32 s1, s30  }
0xba: {  	s0 =	sor.u32 s3, s0;
	s1 =	sshll.u32 s1, $0x11  }
0xbb: {  	s0 =	sor.u32 s1, s0  }
0xbc: {  	s0 =	sadd.s32 $0x8F2B, s0  }
0xbd: {  	[sflag:s0] =	ssyncadd.remote.s32 $0x1  }
0xbe: {  	_ =	sfence.sel $0xFFFF  }
0xbf: {  	[dreg:$0x0] =	wrdreg $0xFFFFFFFF;
	(pc) =	sbr.abs _section_cstart, $3  }
0xc0: {  	[dreg:$0x1] =	wrdreg $0xFFFFFFFF  }
0xc1: {  	_ =	task.clear_ibuf [dreg:s7], $0x2FFFF;
	_ =	strace $0x9FFFFFFF  }
0xc2: {  	(tm) =	ssettm $0x7FFFFFFF  }
0xc3: {  	_ =	shalt  }
tec
execute0_lowered:
.L_overlay_start_1:
0x0: {  	(tag) =	ssettag $0x1  }
0x1: {  	s1 =	rddreg [dreg:$0x0]  }
0x2: {  	s2 =	rddreg [dreg:$0x1]  }
0x3: {  	s0 =	rddreg [dreg:$0x2]  }
0x4: {  	s3 =	simm.s32 $0x0;
	s4 =	srdreg.scid;
	s10 =	simm.s32 $0x18700  }
0x5: {  	v0 =	vimm.s32 $0xC350;
	s11 =	simm.s32 $0x0;
	[smem:$0x7FF] =	sst s3;
	s6 =	sand.u32 $0x1, s4  }
0x6: {  	s5 =	sadd.s32 $0x1910000, s2;
	s4 =	stileid.u32;
	s7 =	ssub.s32 $0x2, s6  }
0x7: {  	_ =	strace $0x80000050;
	s31 =	sshll.u32 s4, $0x6;
	s8 =	sshrl.u32 s7, $0x1  }
0x8: {  	s9 =	sshll.u32 s6, $0x5;
	s6 =	sadd.s32 $0x19B0000, s2;
	s8 =	ssub.s32 s7, s8  }
0x9: {  	v1 =	vimm.s32 $0x0;
	v2 =	vimm.s32 $0x61A8;
	v3 =	vimm.f32 $0.0e+00;
	s7 =	sor.u32 s9, s31;
	s9 =	simm.s32 $0x1;
	s8 =	smax.u32 s8, $0x1  }
.LBB2_1:
0xa: {  	s12 =	simm.s32 $0x0  }
.LBB2_2:
0xb: {  	s15 =	sadd.s32 s7, s12  }
0xc: {  	s13 =	smul.u32 $0x30D4, s15;
	_ =	sdelay $0x1  }
0xd: {  	s14 =	simm.s32 $0x0;
	s16 =	sadd.s32 s1, s13  }
0xe: {  	[tilespmem:s14], [sflag:$0x1] =	stream.linear.gather [hbm4b:s16+s14], $0x186A0, $0x38;
	[tilespmem:$0x1C300] =	vst v63  }
0xf: {  	s15 =	smul.u32 $0x280, s15;
	_ =	swait.ge [sflag:s9], $0x186A0  }
0x10: {  	[sflag:s9] =	ssyncset.done $0x0  }
0x11: {  	s15 =	sadd.s32 s5, s15;
	[sflag:s9] =	ssyncadd.s32 $0xFFFE7960  }
0x12: {  	[tilespmem:s10], [sflag:$0x1] =	stream.linear.gather [hbm4b:s15+s14], $0x1400, $0x38;
	[tilespmem:$0x1C300] =	vst v63  }
0x13: {  	_ =	swait.ge [sflag:s9], $0x1400  }
0x14: {  	[sflag:s9] =	ssyncset.done $0x0  }
0x15: {  	[sflag:s9] =	ssyncadd.s32 $0xFFFFEC00  }
.LBB2_3:
0x16: {  	s15 =	sshra.s32 s14, $0x2;
	v5 =	vld.idx.msk [tilespmem:v0+s3+$0x0], $0xffff  }
0x17: {  	v4 =	vld [tilespmem:s15+$0x18700];
	_ =	sdelay $0x4  }
0x18: {  	vm0 =	vlt.f32 v5, v4  }
0x19: {  	v5 =	vsel vm0, $0x124F8, v2;
	_ =	sdelay $0x4  }
0x1a: {  	v6 =	vld.idx.msk [tilespmem:v5+s3+$0x0], $0xffff;
	_ =	sdelay $0x4  }
0x1b: {  	vm1 =	vlt.f32 v6, v4  }
0x1c: {  	v6 =	vsel vm1, $0x61A8, v1  }
0x1d: {  	v7 =	vsel vm0, $0xC351, v1;
	v8 =	vor.u32 $0x1, v5;
	v5 =	vadd.s32 v5, v6  }
0x1e: {  	v55 =	vsel vm1, v8, v7;
	v56 =	vadd.s32 $0xFFFFFFFF, v5  }
0x1f: {  	v8 =	vxor.u32 v56, v55  }
0x20: {  	v7 =	vor.u32 v56, v55;
	v8 =	vshrl.u32 v8, $0x1  }
0x21: {  	v7 =	vsub.s32 v7, v8;
	_ =	sdelay $0x4  }
0x22: {  	v8 =	vld.idx.msk [tilespmem:v7+s3+$0x0], $0xffff;
	_ =	sdelay $0x4  }
0x23: {  	v57 =	vor.u32 $0x1, v7;
	vm8 =	vlt.f32 v8, v4  }
0x24: {  	v6 =	vsel vm8, v57, v55;
	v5 =	vsel vm8, v5, v7  }
0x25: {  	v7 =	vxor.u32 v5, v6  }
0x26: {  	v8 =	vand.u32 v5, v6;
	v7 =	vshrl.u32 v7, $0x1  }
0x27: {  	v7 =	vadd.s32 v7, v8;
	_ =	sdelay $0x4  }
0x28: {  	v8 =	vld.idx.msk [tilespmem:v7+s3+$0x0], $0xffff;
	_ =	sdelay $0x4  }
0x29: {  	v58 =	vadd.s32 $0x1, v7;
	vm9 =	vlt.f32 v8, v4  }
0x2a: {  	v6 =	vsel vm9, v58, v6;
	v5 =	vsel vm9, v5, v7  }
0x2b: {  	v7 =	vadd.s32 v5, v6  }
0x2c: {  	v7 =	vshrl.u32 v7, $0x1;
	_ =	sdelay $0x4  }
0x2d: {  	v59 =	vld.idx.msk [tilespmem:v7+s3+$0x0], $0xffff;
	_ =	sdelay $0x4  }
0x2e: {  	v60 =	vadd.s32 $0x1, v7;
	vm10 =	vlt.f32 v59, v4  }
0x2f: {  	v6 =	vsel vm10, v60, v6;
	v5 =	vsel vm10, v5, v7  }
0x30: {  	v7 =	vadd.s32 v5, v6  }
0x31: {  	v7 =	vshrl.u32 v7, $0x1;
	_ =	sdelay $0x4  }
0x32: {  	v61 =	vld.idx.msk [tilespmem:v7+s3+$0x0], $0xffff;
	_ =	sdelay $0x4  }
0x33: {  	v62 =	vadd.s32 $0x1, v7;
	vm11 =	vlt.f32 v61, v4  }
0x34: {  	v6 =	vsel vm11, v62, v6;
	v5 =	vsel vm11, v5, v7  }
0x35: {  	v7 =	vadd.s32 v5, v6  }
0x36: {  	v7 =	vshrl.u32 v7, $0x1;
	_ =	sdelay $0x4  }
0x37: {  	v63 =	vld.idx.msk [tilespmem:v7+s3+$0x0], $0xffff;
	_ =	sdelay $0x4  }
0x38: {  	v12 =	vadd.s32 $0x1, v7;
	vm12 =	vlt.f32 v63, v4  }
0x39: {  	v6 =	vsel vm12, v12, v6;
	v5 =	vsel vm12, v5, v7  }
0x3a: {  	v7 =	vadd.s32 v5, v6  }
0x3b: {  	v7 =	vshrl.u32 v7, $0x1;
	_ =	sdelay $0x4  }
0x3c: {  	v13 =	vld.idx.msk [tilespmem:v7+s3+$0x0], $0xffff;
	_ =	sdelay $0x4  }
0x3d: {  	v14 =	vadd.s32 $0x1, v7;
	vm13 =	vlt.f32 v13, v4  }
0x3e: {  	v6 =	vsel vm13, v14, v6;
	v5 =	vsel vm13, v5, v7  }
0x3f: {  	v7 =	vadd.s32 v5, v6  }
0x40: {  	v7 =	vshrl.u32 v7, $0x1;
	_ =	sdelay $0x4  }
0x41: {  	v15 =	vld.idx.msk [tilespmem:v7+s3+$0x0], $0xffff;
	_ =	sdelay $0x4  }
0x42: {  	v16 =	vadd.s32 $0x1, v7;
	vm14 =	vlt.f32 v15, v4  }
0x43: {  	v6 =	vsel vm14, v16, v6;
	v5 =	vsel vm14, v5, v7  }
0x44: {  	v7 =	vadd.s32 v5, v6  }
0x45: {  	v7 =	vshrl.u32 v7, $0x1;
	_ =	sdelay $0x4  }
0x46: {  	v17 =	vld.idx.msk [tilespmem:v7+s3+$0x0], $0xffff;
	_ =	sdelay $0x4  }
0x47: {  	v18 =	vadd.s32 $0x1, v7;
	vm15 =	vlt.f32 v17, v4  }
0x48: {  	v6 =	vsel vm15, v18, v6;
	v5 =	vsel vm15, v5, v7  }
0x49: {  	v7 =	vadd.s32 v5, v6  }
0x4a: {  	v7 =	vshrl.u32 v7, $0x1;
	_ =	sdelay $0x4  }
0x4b: {  	v19 =	vld.idx.msk [tilespmem:v7+s3+$0x0], $0xffff;
	_ =	sdelay $0x4  }
0x4c: {  	v20 =	vadd.s32 $0x1, v7;
	vm4 =	vlt.f32 v19, v4  }
0x4d: {  	v6 =	vsel vm4, v20, v6;
	v5 =	vsel vm4, v5, v7  }
0x4e: {  	v7 =	vadd.s32 v5, v6  }
0x4f: {  	v7 =	vshrl.u32 v7, $0x1;
	_ =	sdelay $0x4  }
0x50: {  	v21 =	vld.idx.msk [tilespmem:v7+s3+$0x0], $0xffff;
	_ =	sdelay $0x4  }
0x51: {  	v22 =	vadd.s32 $0x1, v7;
	vm5 =	vlt.f32 v21, v4  }
0x52: {  	v6 =	vsel vm5, v22, v6;
	v5 =	vsel vm5, v5, v7  }
0x53: {  	v7 =	vadd.s32 v5, v6  }
0x54: {  	v7 =	vshrl.u32 v7, $0x1;
	_ =	sdelay $0x4  }
0x55: {  	v23 =	vld.idx.msk [tilespmem:v7+s3+$0x0], $0xffff;
	_ =	sdelay $0x4  }
0x56: {  	v24 =	vadd.s32 $0x1, v7;
	vm6 =	vlt.f32 v23, v4  }
0x57: {  	v6 =	vsel vm6, v24, v6;
	v5 =	vsel vm6, v5, v7  }
0x58: {  	v7 =	vadd.s32 v5, v6  }
0x59: {  	v7 =	vshrl.u32 v7, $0x1;
	_ =	sdelay $0x4  }
0x5a: {  	v25 =	vld.idx.msk [tilespmem:v7+s3+$0x0], $0xffff;
	_ =	sdelay $0x4  }
0x5b: {  	v26 =	vadd.s32 $0x1, v7;
	vm7 =	vlt.f32 v25, v4  }
0x5c: {  	v6 =	vsel vm7, v26, v6;
	v5 =	vsel vm7, v5, v7  }
0x5d: {  	v7 =	vadd.s32 v5, v6  }
0x5e: {  	v7 =	vshrl.u32 v7, $0x1;
	_ =	sdelay $0x4  }
0x5f: {  	v27 =	vld.idx.msk [tilespmem:v7+s3+$0x0], $0xffff;
	_ =	sdelay $0x4  }
0x60: {  	v28 =	vadd.s32 $0x1, v7;
	vm8 =	vlt.f32 v27, v4  }
0x61: {  	v6 =	vsel vm8, v28, v6;
	v5 =	vsel vm8, v5, v7  }
0x62: {  	v7 =	vadd.s32 v5, v6  }
0x63: {  	v7 =	vshrl.u32 v7, $0x1;
	_ =	sdelay $0x4  }
0x64: {  	v29 =	vld.idx.msk [tilespmem:v7+s3+$0x0], $0xffff;
	_ =	sdelay $0x4  }
0x65: {  	v30 =	vadd.s32 $0x1, v7;
	vm9 =	vlt.f32 v29, v4  }
0x66: {  	v6 =	vsel vm9, v30, v6;
	v5 =	vsel vm9, v5, v7  }
0x67: {  	v5 =	vadd.s32 v5, v6  }
0x68: {  	v5 =	vshrl.u32 v5, $0x1;
	_ =	sdelay $0x4  }
0x69: {  	v31 =	vld.idx.msk [tilespmem:v5+s3+$0x0], $0xffff;
	_ =	sdelay $0x4  }
0x6a: {  	vm10 =	vlt.f32 v31, v4;
	v4 =	vadd.s32 $0x1, v5  }
0x6b: {  	v4 =	vsel vm10, v4, v6  }
0x6c: {  	[tilespmem:s15+$0x19B00] =	vst v4;
	v4 =	vld [tilespmem:s15+$0x18710]  }
0x6d: {  	v5 =	vld.idx.msk [tilespmem:v0+s3+$0x0], $0xffff;
	_ =	sdelay $0x4  }
0x6e: {  	vm11 =	vlt.f32 v5, v4  }
0x6f: {  	v5 =	vsel vm11, $0x124F8, v2;
	_ =	sdelay $0x4  }
0x70: {  	v32 =	vld.idx.msk [tilespmem:v5+s3+$0x0], $0xffff;
	_ =	sdelay $0x4  }
0x71: {  	vm12 =	vlt.f32 v32, v4  }
0x72: {  	v6 =	vsel vm12, $0x61A8, v1  }
0x73: {  	v33 =	vsel vm11, $0xC351, v1;
	v34 =	vor.u32 $0x1, v5;
	v5 =	vadd.s32 v5, v6  }
0x74: {  	v35 =	vsel vm12, v34, v33;
	v36 =	vadd.s32 $0xFFFFFFFF, v5  }
0x75: {  	v8 =	vxor.u32 v36, v35  }
0x76: {  	v7 =	vor.u32 v36, v35;
	v8 =	vshrl.u32 v8, $0x1  }
0x77: {  	v7 =	vsub.s32 v7, v8;
	_ =	sdelay $0x4  }
0x78: {  	v8 =	vld.idx.msk [tilespmem:v7+s3+$0x0], $0xffff;
	_ =	sdelay $0x4  }
0x79: {  	v37 =	vor.u32 $0x1, v7;
	vm13 =	vlt.f32 v8, v4  }
0x7a: {  	v6 =	vsel vm13, v37, v35;
	v5 =	vsel vm13, v5, v7  }
0x7b: {  	v7 =	vxor.u32 v5, v6  }
0x7c: {  	v8 =	vand.u32 v5, v6;
	v7 =	vshrl.u32 v7, $0x1  }
0x7d: {  	v7 =	vadd.s32 v7, v8;
	_ =	sdelay $0x4  }
0x7e: {  	v8 =	vld.idx.msk [tilespmem:v7+s3+$0x0], $0xffff;
	_ =	sdelay $0x4  }
0x7f: {  	v38 =	vadd.s32 $0x1, v7;
	vm14 =	vlt.f32 v8, v4  }
0x80: {  	v6 =	vsel vm14, v38, v6;
	v5 =	vsel vm14, v5, v7  }
0x81: {  	v7 =	vadd.s32 v5, v6  }
0x82: {  	v7 =	vshrl.u32 v7, $0x1;
	_ =	sdelay $0x4  }
0x83: {  	v39 =	vld.idx.msk [tilespmem:v7+s3+$0x0], $0xffff;
	_ =	sdelay $0x4  }
0x84: {  	v40 =	vadd.s32 $0x1, v7;
	vm15 =	vlt.f32 v39, v4  }
0x85: {  	v6 =	vsel vm15, v40, v6;
	v5 =	vsel vm15, v5, v7  }
0x86: {  	v7 =	vadd.s32 v5, v6  }
0x87: {  	v7 =	vshrl.u32 v7, $0x1;
	_ =	sdelay $0x4  }
0x88: {  	v41 =	vld.idx.msk [tilespmem:v7+s3+$0x0], $0xffff;
	_ =	sdelay $0x4  }
0x89: {  	v42 =	vadd.s32 $0x1, v7;
	vm4 =	vlt.f32 v41, v4  }
0x8a: {  	v6 =	vsel vm4, v42, v6;
	v5 =	vsel vm4, v5, v7  }
0x8b: {  	v7 =	vadd.s32 v5, v6  }
0x8c: {  	v7 =	vshrl.u32 v7, $0x1;
	_ =	sdelay $0x4  }
0x8d: {  	v43 =	vld.idx.msk [tilespmem:v7+s3+$0x0], $0xffff;
	_ =	sdelay $0x4  }
0x8e: {  	v44 =	vadd.s32 $0x1, v7;
	vm5 =	vlt.f32 v43, v4  }
0x8f: {  	v6 =	vsel vm5, v44, v6;
	v5 =	vsel vm5, v5, v7  }
0x90: {  	v7 =	vadd.s32 v5, v6  }
0x91: {  	v7 =	vshrl.u32 v7, $0x1;
	_ =	sdelay $0x4  }
0x92: {  	v45 =	vld.idx.msk [tilespmem:v7+s3+$0x0], $0xffff;
	_ =	sdelay $0x4  }
0x93: {  	v46 =	vadd.s32 $0x1, v7;
	vm6 =	vlt.f32 v45, v4  }
0x94: {  	v6 =	vsel vm6, v46, v6;
	v5 =	vsel vm6, v5, v7  }
0x95: {  	v7 =	vadd.s32 v5, v6  }
0x96: {  	v7 =	vshrl.u32 v7, $0x1;
	_ =	sdelay $0x4  }
0x97: {  	v47 =	vld.idx.msk [tilespmem:v7+s3+$0x0], $0xffff;
	_ =	sdelay $0x4  }
0x98: {  	v48 =	vadd.s32 $0x1, v7;
	vm7 =	vlt.f32 v47, v4  }
0x99: {  	v6 =	vsel vm7, v48, v6;
	v5 =	vsel vm7, v5, v7  }
0x9a: {  	v7 =	vadd.s32 v5, v6  }
0x9b: {  	v7 =	vshrl.u32 v7, $0x1;
	_ =	sdelay $0x4  }
0x9c: {  	v49 =	vld.idx.msk [tilespmem:v7+s3+$0x0], $0xffff;
	_ =	sdelay $0x4  }
0x9d: {  	v50 =	vadd.s32 $0x1, v7;
	vm8 =	vlt.f32 v49, v4  }
0x9e: {  	v6 =	vsel vm8, v50, v6;
	v5 =	vsel vm8, v5, v7  }
0x9f: {  	v7 =	vadd.s32 v5, v6  }
0xa0: {  	v7 =	vshrl.u32 v7, $0x1;
	_ =	sdelay $0x4  }
0xa1: {  	v51 =	vld.idx.msk [tilespmem:v7+s3+$0x0], $0xffff;
	_ =	sdelay $0x4  }
0xa2: {  	v52 =	vadd.s32 $0x1, v7;
	vm9 =	vlt.f32 v51, v4  }
0xa3: {  	v6 =	vsel vm9, v52, v6;
	v5 =	vsel vm9, v5, v7  }
0xa4: {  	v7 =	vadd.s32 v5, v6  }
0xa5: {  	v7 =	vshrl.u32 v7, $0x1;
	_ =	sdelay $0x4  }
0xa6: {  	v53 =	vld.idx.msk [tilespmem:v7+s3+$0x0], $0xffff;
	_ =	sdelay $0x4  }
0xa7: {  	v54 =	vadd.s32 $0x1, v7;
	vm10 =	vlt.f32 v53, v4  }
0xa8: {  	v6 =	vsel vm10, v54, v6;
	v5 =	vsel vm10, v5, v7  }
0xa9: {  	v7 =	vadd.s32 v5, v6  }
0xaa: {  	v7 =	vshrl.u32 v7, $0x1;
	_ =	sdelay $0x4  }
0xab: {  	v55 =	vld.idx.msk [tilespmem:v7+s3+$0x0], $0xffff;
	_ =	sdelay $0x4  }
0xac: {  	v56 =	vadd.s32 $0x1, v7;
	vm11 =	vlt.f32 v55, v4  }
0xad: {  	v6 =	vsel vm11, v56, v6;
	v5 =	vsel vm11, v5, v7  }
0xae: {  	v7 =	vadd.s32 v5, v6  }
0xaf: {  	v7 =	vshrl.u32 v7, $0x1;
	_ =	sdelay $0x4  }
0xb0: {  	v57 =	vld.idx.msk [tilespmem:v7+s3+$0x0], $0xffff;
	_ =	sdelay $0x4  }
0xb1: {  	v58 =	vadd.s32 $0x1, v7;
	vm12 =	vlt.f32 v57, v4  }
0xb2: {  	v6 =	vsel vm12, v58, v6;
	v5 =	vsel vm12, v5, v7  }
0xb3: {  	v7 =	vadd.s32 v5, v6  }
0xb4: {  	v7 =	vshrl.u32 v7, $0x1;
	_ =	sdelay $0x4  }
0xb5: {  	v59 =	vld.idx.msk [tilespmem:v7+s3+$0x0], $0xffff;
	_ =	sdelay $0x4  }
0xb6: {  	v60 =	vadd.s32 $0x1, v7;
	vm13 =	vlt.f32 v59, v4  }
0xb7: {  	v6 =	vsel vm13, v60, v6;
	v5 =	vsel vm13, v5, v7  }
0xb8: {  	v7 =	vadd.s32 v5, v6  }
0xb9: {  	v7 =	vshrl.u32 v7, $0x1;
	_ =	sdelay $0x4  }
0xba: {  	v61 =	vld.idx.msk [tilespmem:v7+s3+$0x0], $0xffff;
	_ =	sdelay $0x4  }
0xbb: {  	v62 =	vadd.s32 $0x1, v7;
	vm14 =	vlt.f32 v61, v4  }
0xbc: {  	v6 =	vsel vm14, v62, v6;
	v5 =	vsel vm14, v5, v7  }
0xbd: {  	v5 =	vadd.s32 v5, v6  }
0xbe: {  	v5 =	vshrl.u32 v5, $0x1;
	_ =	sdelay $0x4  }
0xbf: {  	v63 =	vld.idx.msk [tilespmem:v5+s3+$0x0], $0xffff;
	_ =	sdelay $0x1  }
0xc0: {  	p0 =	sne.s32 s14, $0x4F80  }
.Ltmp0:
0xc1: {  	_ = 	snop;
	(pc) =	sbr.rel @p0 .LBB2_3-.Ltmp0, $4  }
0xc2: {  	_ = 	snop  }
0xc3: {  	vm15 =	vlt.f32 v63, v4;
	v4 =	vadd.s32 $0x1, v5  }
0xc4: {  	v4 =	vsel vm15, v4, v6  }
0xc5: {  	s14 =	sadd.s32 $0x80, s14;
	[tilespmem:s15+$0x19B10] =	vst v4  }
0xc6: {  	s15 =	sadd.s32 s6, s13;
	s14 =	simm.s32 $0x0  }
0xc7: {  	[tilespmem:s14], [sflag:$0x1] =	stream.linear.gather [hbm4b:s15+s14], $0x186A0, $0x38;
	[tilespmem:$0x1C300] =	vst v63  }
0xc8: {  	_ =	swait.ge [sflag:s9], $0x186A0  }
0xc9: {  	[sflag:s9] =	ssyncset.done $0x0  }
0xca: {  	s15 =	simm.s32 $0x0;
	[sflag:s9] =	ssyncadd.s32 $0xFFFE7960  }
0xcb: {  	v4 =	vld [tilespmem:s15+$0x19B00];
	_ =	sdelay $0x5  }
0xcc: {  	v5 =	vld [tilespmem:s15+$0x19B10];
	_ =	sdelay $0x1  }
0xcd: {  	v4 =	vld.idx.msk [tilespmem:v4+s14+$0x0], $0xffff;
	_ =	sdelay $0x4  }
0xce: {  	v6 =	vld [tilespmem:s15+$0x19B20];
	[tilespmem:s15+$0x1AF00] =	vst v4  }
0xcf: {  	v4 =	vld.idx.msk [tilespmem:v5+s14+$0x0], $0xffff;
	_ =	sdelay $0x4  }
0xd0: {  	[tilespmem:s15+$0x1AF10] =	vst v4;
	v4 =	vld [tilespmem:s15+$0x19B30];
	_ =	sdelay $0x1  }
0xd1: {  	v5 =	vld.idx.msk [tilespmem:v6+s14+$0x0], $0xffff;
	_ =	sdelay $0x3  }
0xd2: {  	s17 =	simm.s32 $0x40;
	s16 =	simm.s32 $0x200  }
.LBB2_5:
0xd3: {  	p0 =	sne.s32 s16, $0x4F00;
	v6 =	vld [tilespmem:s17+$0x19B00];
	[tilespmem:s15+$0x1AF20] =	vst v5  }
0xd4: {  	v4 =	vld.idx.msk [tilespmem:v4+s14+$0x0], $0xffff;
	_ =	sdelay $0x5  }
0xd5: {  	v5 =	vld [tilespmem:s17+$0x19B10];
	[tilespmem:s15+$0x1AF30] =	vst v4;
	s15 =	smov.u32 s17  }
0xd6: {  	v4 =	vld.idx.msk [tilespmem:v6+s14+$0x0], $0xffff;
	_ =	sdelay $0x5  }
0xd7: {  	[tilespmem:s15+$0x1AF00] =	vst v4;
	v6 =	vld [tilespmem:s15+$0x19B20]  }
0xd8: {  	v4 =	vld.idx.msk [tilespmem:v5+s14+$0x0], $0xffff;
	_ =	sdelay $0x5  }
0xd9: {  	[tilespmem:s15+$0x1AF10] =	vst v4;
	v4 =	vld [tilespmem:s15+$0x19B30]  }
0xda: {  	v5 =	vld.idx.msk [tilespmem:v6+s14+$0x0], $0xffff  }
.Ltmp1:
0xdb: {  	(pc) =	sbr.rel @p0 .LBB2_5-.Ltmp1, $2  }
0xdc: {  	_ =	sdelay $0x2  }
0xdd: {  	s17 =	sshra.s32 s16, $0x2;
	s16 =	sadd.s32 $0x100, s16  }
0xde: {  	_ =	sdelay $0x1  }
0xdf: {  	v6 =	vld [tilespmem:s17+$0x19B00]  }
0xe0: {  	[tilespmem:s15+$0x1AF20] =	vst v5  }
0xe1: {  	v4 =	vld.idx.msk [tilespmem:v4+s14+$0x0], $0xffff;
	_ =	sdelay $0x3  }
0xe2: {  	v5 =	vld [tilespmem:s17+$0x19B10]  }
0xe3: {  	[tilespmem:s15+$0x1AF30] =	vst v4  }
0xe4: {  	v4 =	vld.idx.msk [tilespmem:v6+s14+$0x0], $0xffff;
	_ =	sdelay $0x4  }
0xe5: {  	[tilespmem:s17+$0x1AF00] =	vst v4;
	v4 =	vld [tilespmem:s17+$0x19B20]  }
0xe6: {  	v5 =	vld.idx.msk [tilespmem:v5+s14+$0x0], $0xffff;
	_ =	sdelay $0x4  }
0xe7: {  	[tilespmem:s17+$0x1AF10] =	vst v5;
	v5 =	vld [tilespmem:s17+$0x19B30];
	_ =	sdelay $0x1  }
0xe8: {  	v4 =	vld.idx.msk [tilespmem:v4+s14+$0x0], $0xffff;
	_ =	sdelay $0x4  }
0xe9: {  	[tilespmem:s17+$0x1AF20] =	vst v4  }
0xea: {  	v4 =	vld.idx.msk [tilespmem:v5+s14+$0x0], $0xffff;
	_ =	sdelay $0x4  }
0xeb: {  	s15 =	simm.s32 $0x50;
	[tilespmem:s17+$0x1AF30] =	vst v4  }
0xec: {  	[tilespmem:s15+$0xFFFFFFC0] =	vst v3  }
0xed: {  	[tilespmem:s15+$0xFFFFFFD0] =	vst v3  }
0xee: {  	[tilespmem:s15+$0xFFFFFFE0] =	vst v3  }
0xef: {  	[tilespmem:s15+$0xFFFFFFF0] =	vst v3  }
0xf0: {  	[tilespmem:s15+$0x0] =	vst v3  }
0xf1: {  	[tilespmem:s15+$0x10] =	vst v3  }
0xf2: {  	[tilespmem:s15+$0x20] =	vst v3  }
0xf3: {  	s16 =	sand.u32 $0x3FFE0, s14;
	s14 =	simm.s32 $0xA0;
	[tilespmem:s15+$0xFFFFFFB0] =	vst v3  }
.LBB2_7:
0xf4: {  	p0 =	sne.s32 s14, $0x18600;
	[tilespmem:s16+$0x80] =	vst v3  }
0xf5: {  	[tilespmem:s15+$0x40] =	vst v3;
	s15 =	sadd.s32 $0xA0, s15  }
0xf6: {  	[tilespmem:s15+$0xFFFFFFC0] =	vst v3  }
0xf7: {  	[tilespmem:s15+$0xFFFFFFD0] =	vst v3  }
0xf8: {  	[tilespmem:s15+$0xFFFFFFE0] =	vst v3  }
.Ltmp2:
0xf9: {  	[tilespmem:s15+$0xFFFFFFF0] =	vst v3;
	(pc) =	sbr.rel @p0 .LBB2_7-.Ltmp2, $4  }
0xfa: {  	[tilespmem:s15+$0x0] =	vst v3  }
0xfb: {  	[tilespmem:s15+$0x10] =	vst v3  }
0xfc: {  	[tilespmem:s15+$0x20] =	vst v3  }
0xfd: {  	s16 =	sand.u32 $0x3FFE0, s14;
	s14 =	sadd.s32 $0xA0, s14;
	[tilespmem:s15+$0xFFFFFFB0] =	vst v3  }
0xfe: {  	[tilespmem:s16+$0x80] =	vst v3  }
0xff: {  	s14 =	simm.s32 $0x0;
	[tilespmem:s15+$0x40] =	vst v3  }
.LBB2_9:
0x100: {  	s15 =	sshra.s32 s14, $0x2  }
0x101: {  	v4 =	vld [tilespmem:s15+$0x19B00];
	_ =	sdelay $0x2  }
0x102: {  	v5 =	vld [tilespmem:s15+$0x1AF00];
	_ =	sdelay $0x4  }
0x103: {  	[tilespmem:v4+s3+$0x0] =	vst.idx.msk $0xffff, v5  }
0x104: {  	v4 =	vld [tilespmem:s15+$0x19B10];
	_ =	sdelay $0x2  }
0x105: {  	v5 =	vld [tilespmem:s15+$0x1AF10];
	_ =	sdelay $0x4  }
0x106: {  	[tilespmem:v4+s3+$0x0] =	vst.idx.msk $0xffff, v5  }
0x107: {  	v4 =	vld [tilespmem:s15+$0x19B20];
	_ =	sdelay $0x2  }
0x108: {  	v5 =	vld [tilespmem:s15+$0x1AF20];
	_ =	sdelay $0x4  }
0x109: {  	[tilespmem:v4+s3+$0x0] =	vst.idx.msk $0xffff, v5  }
0x10a: {  	v4 =	vld [tilespmem:s15+$0x19B30];
	_ =	sdelay $0x2  }
0x10b: {  	p0 =	sne.s32 s14, $0x4F00;
	v5 =	vld [tilespmem:s15+$0x1AF30]  }
.Ltmp3:
0x10c: {  	_ = 	snop;
	(pc) =	sbr.rel @p0 .LBB2_9-.Ltmp3, $2  }
0x10d: {  	_ =	sdelay $0x2  }
0x10e: {  	s14 =	sadd.s32 $0x100, s14;
	[tilespmem:v4+s3+$0x0] =	vst.idx.msk $0xffff, v5  }
0x10f: {  	s12 =	sadd.s32 $0x1, s12  }
0x110: {  	p0 =	sne.s32 s12, $0x20  }
.Ltmp4:
0x111: {  	s13 =	sadd.s32 s2, s13;
	(pc) =	sbr.rel @p0 .LBB2_2-.Ltmp4, $4  }
0x112: {  	[hbm4b:s13+s3] =	stream.linear.scatter [tilespmem:s3], [sflag:$0x1], $0x186A0, $0x38;
	[tilespmem:$0x1C300] =	vst v63  }
0x113: {  	_ =	swait.ge [sflag:s9], $0x186A0  }
0x114: {  	[sflag:s9] =	ssyncset.done $0x0  }
0x115: {  	[sflag:s9] =	ssyncadd.s32 $0xFFFE7960  }
0x116: {  	s11 =	sadd.s32 $0x1, s11  }
0x117: {  	p0 =	sne.s32 s11, s8  }
.Ltmp5:
0x118: {  	_ = 	snop;
	(pc) =	sbr.rel @p0 .LBB2_1-.Ltmp5, $1  }
0x119: {  	_ =	sdelay $0x3  }
0x11a: {  	_ =	sfence.sel $0x180000  }
0x11b: {  	[bflag:$0x0] =	sbarrier.arrive $0xFFFF  }
0x11c: {  	p0 =	sne.s32 s4, $0x0;
	_ =	strace $0x90000050  }
0x11d: {  	s0 =	sadd.s32 @!p0 $0x100000, s0;
	[bflag:$0x2] =	sbarrier.arrive $0xFFFF  }
0x11e: {  	[sflag:s0] =	ssyncadd.tile.s32 @!p0 $0x1;
	_ =	shalt  }
.Lfunc_end2:
_tile_overlayer_lowered:
.L_overlay_start_2:
0x11f: {  	(tag) =	ssettag $0x2  }
0x120: {  	s0 =	rddreg [dreg:$0x0];
	s2 =	stileid.u32  }
0x121: {  	s1 =	rddreg [dreg:$0x1];
	p0 =	sne.s32 s2, $0x0  }
0x122: {  	s3 =	rddreg [dreg:$0x2];
	[bflag:$0x3] =	sbarrier.arrive $0xFFFF;
	s2 =	simm.s32 @!p0 $0x1C01  }
0x123: {  	[timem:s3], [sflag:s2] =	dma.local @!p0 [hbm:s0], s1  }
0x124: {  	s0 =	simm.s32 @!p0 $0x1  }
0x125: {  	_ =	swait.ge @!p0 [sflag:s0], s1  }
0x126: {  	s1 =	ssub.s32 @!p0 $0x0, s1;
	[sflag:s0] =	ssyncset.done @!p0 $0x0  }
0x127: {  	[sflag:s0] =	ssyncadd.s32 @!p0 s1  }
0x128: {  	[bflag:$0x3] =	sbarrier.arrive $0xFFFF  }
0x129: {  	_ =	shalt  }

// kernel: sparse-core-data-format-call.1.cloned.1.call-start
scs
called_computation.1_lowered:
.L_overlay_start_0:
0x0: {  	s2 =	sld [smem:$0x3FD9]  }
0x1: {  	s3 =	sld [smem:$0x3FFE];
	_ =	sdelay $0x1  }
0x2: {  	s1 =	srdreg.scid  }
0x3: {  	s0 =	sand.u32 $0x1, s1  }
0x4: {  	s18 =	sshll.u32 s0, $0xA;
	s2 =	sadd.s32 s3, s2  }
0x5: {  	s2 =	sadd.s32 s2, s18  }
0x6: {  	[smem:$0x3FC7] =	sst s2  }
0x7: {  	_ = 	snop  }
0x8: {  	s2 =	sld [smem:$0x3FD0];
	(tm) =	ssettm $0x1  }
0x9: {  	s19 =	sld [smem:$0x3FFB];
	_ =	sdelay $0x3  }
0xa: {  	_ =	strace s19  }
0xb: {  	s3 =	sld [smem:$0x3FFC];
	_ =	sdelay $0x3  }
0xc: {  	_ =	strace s3  }
0xd: {  	s3 =	sld [smem:$0x3FFD];
	_ =	sdelay $0x3  }
0xe: {  	_ =	strace s3  }
0xf: {  	_ =	strace $0x8FFFFFFF  }
0x10: {  	s20 =	sld [smem:$0x3FDB];
	_ =	sdelay $0x1  }
0x11: {  	s4 =	simm.s32 $_scs_section_size  }
0x12: {  	s5 =	simm.s32 $_size__tile_overlayer_lowered;
	s6 =	simm.s32 $_tile_overlayer_lowered  }
0x13: {  	s23 =	simm.s32 $0x1BFF;
	s22 =	sshll.u32 s6, $0x1;
	s3 =	sadd.s32 s4, s20  }
0x14: {  	s7 =	simm.s32 $0x0;
	s21 =	sshll.u32 s5, $0x1;
	s5 =	sadd.s32 s22, s3  }
0x15: {  	[timem:s7], [sflag:s23] =	dma.local [hbm:s5], s21  }
0x16: {  	_ =	swait.ge [sflag:s23], s21  }
0x17: {  	s4 =	ssub.s32 $0x0, s21;
	[sflag:s23] =	ssyncset.done $0x0  }
0x18: {  	[sflag:s23] =	ssyncadd.s32 s4;
	_ =	sdelay $0x1  }
0x19: {  	s24 =	simm.s32 $0x1B8B  }
0x1a: {  	_ =	swait.ge [sflag:s24], $0x1  }
0x1b: {  	[sflag:s24] =	ssyncset.done $0x0  }
0x1c: {  	s26 =	simm.s32 $0x1B8E;
	s25 =	sld [smem:$0x3FFE];
	[sflag:s24] =	ssyncadd.s32 $0xFFFFFFFF  }
0x1d: {  	s27 =	simm.s32 $execute0_lowered;
	[smem:$0x3FD2] =	sst s26  }
0x1e: {  	s5 =	sshll.u32 s27, $0x1;
	_ =	strace $0x8000004C;
	[dreg:$0x1] =	wrdreg $0xFFFFFFFF  }
0x1f: {  	s28 =	simm.s32 $_size_execute0_lowered;
	s3 =	sadd.s32 s3, s5;
	[dreg:$0x0] =	wrdreg $0x0  }
0x20: {  	s5 =	sshll.u32 s28, $0x1;
	[dreg:$0x2] =	wrdreg s3  }
0x21: {  	[dreg:$0x3] =	wrdreg s5  }
0x22: {  	[dreg:$0x4] =	wrdreg $0xC0  }
0x23: {  	_ =	task [dreg:s7], $0x5FFFF  }
0x24: {  	[dreg:$0x1] =	wrdreg $0xFFFFFFFF  }
0x25: {  	[dreg:$0x0] =	wrdreg $0x60  }
0x26: {  	[dreg:$0x2] =	wrdreg s2  }
0x27: {  	[dreg:$0x3] =	wrdreg s25  }
0x28: {  	[dreg:$0x4] =	wrdreg $0x9  }
0x29: {  	_ =	task.clear_ibuf [dreg:s7], $0x5FFFF;
	_ =	strace $0x9000004C  }
0x2a: {  	s29 =	simm.s32 $0x9;
	_ =	strace $0x8000004E  }
0x2b: {  	_ =	swait.ge [sflag:s29], $0x1  }
0x2c: {  	[sflag:s29] =	ssyncadd.s32 $0xFFFFFFFF  }
0x2d: {  	_ =	strace $0x9000004E  }
0x2e: {  	_ =	sfence  }
0x2f: {  	s30 =	sld [smem:$0x0];
	_ =	sdelay $0x2  }
0x30: {  	s31 =	sshll.u32 s1, $0xD;
	s1 =	sshrl.u32 s1, $0x2  }
0x31: {  	s3 =	sand.u32 $0x4000, s31;
	s1 =	sadd.s32 s1, s30  }
0x32: {  	s0 =	sor.u32 s3, s0;
	s1 =	sshll.u32 s1, $0x11  }
0x33: {  	s0 =	sor.u32 s1, s0  }
0x34: {  	s0 =	sadd.s32 $0x8F2B, s0  }
0x35: {  	[sflag:s0] =	ssyncadd.remote.s32 $0x1  }
0x36: {  	_ =	sfence.sel $0xFFFF  }
0x37: {  	[dreg:$0x0] =	wrdreg $0xFFFFFFFF;
	(pc) =	sbr.abs _section_cstart, $3  }
0x38: {  	[dreg:$0x1] =	wrdreg $0xFFFFFFFF  }
0x39: {  	_ =	task.clear_ibuf [dreg:s7], $0x2FFFF;
	_ =	strace $0x9FFFFFFF  }
0x3a: {  	(tm) =	ssettm $0x7FFFFFFF  }
0x3b: {  	_ =	shalt  }
tec
execute0_lowered:
.L_overlay_start_1:
0x0: {  	(tag) =	ssettag $0x1  }
0x1: {  	s0 =	srdreg.scid  }
0x2: {  	s1 =	sshll.u32 s0, $0x4  }
0x3: {  	s2 =	rddreg [dreg:$0x0];
	s0 =	stileid.u32;
	s1 =	sand.u32 $0x10, s1  }
0x4: {  	s3 =	rddreg [dreg:$0x1];
	s8 =	sor.u32 s0, s1  }
0x5: {  	s31 =	simm.s32 $0x2;
	s5 =	sshll.u32 s0, $0x7;
	s1 =	sshll.u32 s8, $0x5  }
0x6: {  	s14 =	simm.s32 $0x0;
	s5 =	sand.u32 $0x180, s5;
	s4 =	sand.u32 $0x380, s1  }
0x7: {  	s13 =	simm.s32 $0x0;
	s9 =	ssub.s32 $0x18680, s5;
	s6 =	ssub.s32 $0x400, s4  }
0x8: {  	s1 =	rddreg [dreg:$0x2];
	_ =	strace $0x8000004D;
	s7 =	sand.u32 $0x380, s6  }
0x9: {  	s9 =	sshrl.u32 s9, $0x9;
	p0 =	sne.s32 s7, $0x0;
	s7 =	simm.s32 $0x1  }
.Ltmp0:
0xa: {  	s10 =	sshrl.u32 s6, $0xA;
	s7 =	simm.s32 @!p0 $0x0;
	(pc) =	sbr.rel .LBB1_1-.Ltmp0, $4  }
0xb: {  	s9 =	sadd.s32 $0x1, s9;
	s6 =	simm.s32 $0x1;
	s7 =	sadd.s32 s7, s10  }
0xc: {  	s12 =	simm.s32 $0x0;
	[sflag:s6] =	ssyncpa.u1 $0x0;
	s7 =	smul.u32 s9, s7  }
0xd: {  	s8 =	sshll.u32 s8, $0x8;
	s11 =	smov.u32 s5;
	[sflag:s31] =	ssyncpa.u1 $0x0  }
0xe: {  	p0 =	por $0x0, $0x0;
	s10 =	simm.s32 $0xC3800;
	s9 =	sadd.s32 $0x1, s7  }
.LBB1_4:
0xf: {  	s14 =	sshrl.u32 s14, $0x3  }
0x10: {  	s20 =	sshll.u32 s13, $0x3;
	s14 =	smul.u32 $0xC3800, s14  }
0x11: {  	v5 =	vld [tilespmem:s18+$0xFFFFFFD0];
	[tilespmem:s17+$0x2040 ss:$0x81] =	vst.msk $0xffff, v4;
	s20 =	sand.u32 $0xFFFFFC00, s20  }
0x12: {  	v58 =	vld [tilespmem:s18+$0xFFFFFFE0];
	[tilespmem:s17+$0x2850 ss:$0x81] =	vst.msk $0xffff, v3;
	s30 =	sand.u32 $0x7F, s13;
	s14 =	sadd.s32 s20, s14  }
0x13: {  	s19 =	sshra.s32 s19, $0x2;
	v59 =	vld [tilespmem:s18+$0xFFFFFFF0];
	[tilespmem:s17+$0x3060 ss:$0x81] =	vst.msk $0xffff, v2;
	s13 =	sor.u32 s30, s14  }
0x14: {  	v60 =	vld [tilespmem:s18+$0x0];
	[tilespmem:s17+$0x0 ss:$0x81] =	vst.msk $0xffff, v0;
	s16 =	sadd.s32 s19, s16;
	s31 =	smulhi.u32 $0xA79C7B17, s13  }
0x15: {  	v61 =	vld [tilespmem:s18+$0x10];
	[tilespmem:s16+$0x3870 ss:$0x81] =	vst.msk $0xffff, v1  }
0x16: {  	v62 =	vld [tilespmem:s18+$0x20];
	s14 =	smulhi.u32 $0xA79C7B17, s14;
	[tilespmem:s16+$0x810 ss:$0x81] =	vst.msk $0xffff, v5;
	s17 =	sshrl.u32 s31, $0x10  }
0x17: {  	v63 =	vld [tilespmem:s18+$0xFFFFFFC0];
	[tilespmem:s16+$0x1020 ss:$0x81] =	vst.msk $0xffff, v58;
	s17 =	smul.u32 $0x18700, s17  }
0x18: {  	[tilespmem:s16+$0x1830 ss:$0x81] =	vst.msk $0xffff, v59;
	s14 =	sshrl.u32 s14, $0x10  }
0x19: {  	[tilespmem:s16+$0x2040 ss:$0x81] =	vst.msk $0xffff, v60;
	s14 =	sand.u32 $0x3FF, s14;
	s13 =	ssub.s32 s13, s17  }
0x1a: {  	[tilespmem:s16+$0x2850 ss:$0x81] =	vst.msk $0xffff, v61;
	s14 =	smul.u32 $0x30E0, s14;
	s17 =	sshrl.u32 s13, $0x3;
	s13 =	sand.u32 $0x7, s13  }
0x1b: {  	[tilespmem:s16+$0x3060 ss:$0x81] =	vst.msk $0xffff, v62;
	s17 =	sadd.s32 s3, s17;
	s13 =	sshll.u32 s13, $0x12  }
0x1c: {  	[tilespmem:s16+$0x0 ss:$0x81] =	vst.msk $0xffff, v63;
	s14 =	sadd.s32 s14, s17;
	s13 =	sor.u32 $0x400, s13  }
0x1d: {  	[hbm4b:s14+s13] =	stream.strided.scatter [tilespmem:s15], [sflag:$0x2], $0x4000, s10, s13, $0x20;
	[tilespmem:$0x10100] =	vst v63  }
.LBB1_5:
0x1e: {  	s15 =	sadd.s32 $0x200, s11  }
0x1f: {  	p2 =	sgt.s32 s15, $0x1869F  }
0x20: {  	s15 =	smov.u32 @p2 s5;
	p2 =	sne.s32 s12, s9  }
.Ltmp1:
0x21: {  	p1 =	slt.u32 s12, $0x2;
	(pc) =	sbr.rel @!p2 .LBB1_6-.Ltmp1, $4  }
0x22: {  	s14 =	simm.s32 @!p1 $0x2  }
0x23: {  	s16 =	sadd.s32 $0x1, s12;
	s13 =	smov.u32 s11;
	_ =	swait.ge @!p1 [sflag:s14], $0x4000  }
0x24: {  	p0 =	por !p0, !p0;
	s12 =	smov.u32 s16;
	[sflag:s14] =	ssyncset.done @!p1 $0x0  }
0x25: {  	s11 =	smov.u32 s15;
	[sflag:s14] =	ssyncadd.s32 @!p1 $0xFFFFC000;
	s14 =	smov.u32 s4  }
.LBB1_1:
0x26: {  	p1 =	sge.u32 s12, s7  }
0x27: {  	s15 =	sshll.u32 @!p1 s11, $0xA  }
0x28: {  	s15 =	sand.u32 @!p1 $0xFFFFE000, s15  }
0x29: {  	s15 =	sor.u32 @!p1 s8, s15  }
0x2a: {  	s17 =	smov.u32 s11;
	p2 =	sgt.s32 @!p1 s11, $0x18620;
	s15 =	sshrl.u32 @!p1 s15, $0xA  }
0x2b: {  	s18 =	sshra.s32 @!p1 s11, $0x1F;
	p2 =	por !p2, p1;
	s16 =	smulhi.u32 @!p1 $0x53E2D7, s15  }
0x2c: {  	s31 =	sadd.s32 $0xFFFFFFFF, s12;
	s18 =	sand.u32 @!p1 s18, s11;
	s17 =	simm.s32 @p2 $0x18620  }
0x2d: {  	s19 =	sxor.u32 @!p1 $0xFFFFFFFF, s12;
	s17 =	ssub.s32 @!p1 s17, s18;
	s16 =	sshrl.u32 @!p1 s16, $0x7  }
0x2e: {  	s18 =	sshll.u32 @!p1 s19, $0xE;
	s17 =	sadd.s32 @!p1 $0xFFFE79E0, s17;
	s16 =	smul.u32 @!p1 $0x186A0, s16  }
0x2f: {  	s19 =	simm.s32 @!p1 $0x2000;
	s18 =	sand.u32 @!p1 $0x4000, s18;
	p2 =	sgt.s32 @!p1 s17, $0x7F  }
0x30: {  	s15 =	ssub.s32 @!p1 s15, s16;
	s16 =	sshll.u32 @!p1 s17, $0x7;
	s17 =	sshll.u32 @!p1 s11, $0x4  }
0x31: {  	p2 =	por !p2, p1;
	s16 =	ssub.s32 @!p1 $0x4000, s16;
	s17 =	sand.u32 @!p1 $0x70, s17  }
0x32: {  	s15 =	sshll.u32 @!p1 s15, $0x7;
	s16 =	sand.u32 @!p1 $0x3FFFFF80, s16;
	s17 =	sadd.s32 @!p1 s2, s17  }
0x33: {  	s16 =	simm.s32 @!p2 $0x0;
	s15 =	sadd.s32 @!p1 s15, s17;
	s17 =	simm.s32 @!p1 $0x400  }
0x34: {  	[tilespmem:s18], [sflag:$0x1] =	stream.strided.gather @!p1 [hbm4b:s15+s17], s16, s19, s17, $0x38;
	[tilespmem:$0x10100] =	vst v63  }
0x35: {  	p1 =	sge.u32 s31, s7  }
.Ltmp2:
0x36: {  	_ = 	snop;
	(pc) =	sbr.rel @p1 .LBB1_5-.Ltmp2, $1  }
0x37: {  	_ =	sdelay $0x3  }
0x38: {  	p1 =	sgt.s32 s13, $0x18620;
	s15 =	smov.u32 s13;
	s16 =	sshra.s32 s13, $0x1F  }
0x39: {  	s15 =	simm.s32 @!p1 $0x18620;
	s16 =	sand.u32 s16, s13  }
0x3a: {  	s15 =	ssub.s32 s15, s16  }
0x3b: {  	s15 =	sadd.s32 $0xFFFE79E0, s15  }
0x3c: {  	s29 =	sshll.u32 s15, $0x7  }
0x3d: {  	s16 =	ssub.s32 $0x4000, s29  }
0x3e: {  	p1 =	sgt.s32 s15, $0x7F;
	s15 =	sand.u32 $0x3FFFFF80, s16  }
0x3f: {  	s16 =	simm.s32 $0x1;
	s15 =	simm.s32 @p1 $0x0  }
0x40: {  	s16 =	simm.s32 @!p0 $0x0;
	_ =	swait.ge [sflag:s6], s15  }
0x41: {  	s17 =	sshll.u32 s16, $0xE;
	s15 =	ssub.s32 $0x0, s15;
	[sflag:s6] =	ssyncset.done $0x0  }
0x42: {  	s18 =	sor.u32 $0x40, s17;
	[sflag:s6] =	ssyncadd.s32 s15  }
0x43: {  	s30 =	smul.u32 $0x10200, s16;
	v0 =	vld [tilespmem:s18+$0x30]  }
0x44: {  	v1 =	vld [tilespmem:s18+$0xFFFFFFD0]  }
0x45: {  	s15 =	sshrl.u32 s30, $0x2;
	v5 =	vld [tilespmem:s18+$0xFFFFFFE0]  }
0x46: {  	s16 =	sor.u32 $0x8000, s15;
	v6 =	vld [tilespmem:s18+$0xFFFFFFF0]  }
0x47: {  	s31 =	sand.u32 $0x1, s12;
	v4 =	vld [tilespmem:s18+$0x0];
	s17 =	sadd.s32 $0x0, s16  }
0x48: {  	s15 =	smul.u32 $0x10200, s31;
	v3 =	vld [tilespmem:s18+$0x10];
	[tilespmem:s17+$0x3870 ss:$0x81] =	vst.msk $0xffff, v0  }
0x49: {  	v2 =	vld [tilespmem:s18+$0x20];
	[tilespmem:s17+$0x810 ss:$0x81] =	vst.msk $0xffff, v1  }
0x4a: {  	s15 =	sshrl.u32 s15, $0x2;
	v0 =	vld [tilespmem:s18+$0xFFFFFFC0];
	[tilespmem:s17+$0x1020 ss:$0x81] =	vst.msk $0xffff, v5;
	s18 =	sadd.s32 $0x80, s18  }
0x4b: {  	s19 =	simm.s32 $0x4;
	s20 =	simm.s32 $0x8;
	s15 =	sor.u32 $0x8000, s15;
	[tilespmem:s17+$0x1830 ss:$0x81] =	vst.msk $0xffff, v6;
	v1 =	vld [tilespmem:s18+$0x30]  }
.LBB1_3:
0x4c: {  	p1 =	sne.s32 s20, $0x1FC;
	v5 =	vld [tilespmem:s18+$0xFFFFFFD0];
	[tilespmem:s17+$0x2040 ss:$0x81] =	vst.msk $0xffff, v4  }
0x4d: {  	v6 =	vld [tilespmem:s18+$0xFFFFFFE0];
	[tilespmem:s17+$0x2850 ss:$0x81] =	vst.msk $0xffff, v3  }
0x4e: {  	s21 =	sshra.s32 s19, $0x2;
	s19 =	smov.u32 s20;
	v7 =	vld [tilespmem:s18+$0xFFFFFFF0];
	[tilespmem:s17+$0x3060 ss:$0x81] =	vst.msk $0xffff, v2  }
.Ltmp3:
0x4f: {  	v4 =	vld [tilespmem:s18+$0x0];
	[tilespmem:s17+$0x0 ss:$0x81] =	vst.msk $0xffff, v0;
	s17 =	sadd.s32 s21, s16;
	(pc) =	sbr.rel @p1 .LBB1_3-.Ltmp3, $4  }
0x50: {  	v3 =	vld [tilespmem:s18+$0x10];
	[tilespmem:s17+$0x3870 ss:$0x81] =	vst.msk $0xffff, v1  }
0x51: {  	[tilespmem:s17+$0x810 ss:$0x81] =	vst.msk $0xffff, v5;
	v2 =	vld [tilespmem:s18+$0x20]  }
0x52: {  	v0 =	vld [tilespmem:s18+$0xFFFFFFC0];
	[tilespmem:s17+$0x1020 ss:$0x81] =	vst.msk $0xffff, v6;
	s18 =	sadd.s32 $0x80, s18  }
0x53: {  	s20 =	sadd.s32 $0x4, s20;
	v1 =	vld [tilespmem:s18+$0x30];
	[tilespmem:s17+$0x1830 ss:$0x81] =	vst.msk $0xffff, v7  }
.Ltmp4:
0x54: {  	_ = 	snop;
	(pc) =	sbr.rel .LBB1_4-.Ltmp4, $1  }
0x55: {  	_ =	sdelay $0x3  }
.LBB1_6:
0x56: {  	_ =	sfence.sel $0x180000  }
0x57: {  	s2 =	simm.s32 $0x1;
	[bflag:$0x0] =	sbarrier.arrive $0xFFFF  }
0x58: {  	s31 =	simm.s32 $0x2;
	[sflag:s2] =	ssyncpa.u1 $0x1  }
0x59: {  	[sflag:s31] =	ssyncpa.u1 $0x1  }
0x5a: {  	p0 =	sne.s32 s0, $0x0;
	_ =	strace $0x9000004D  }
0x5b: {  	s0 =	sadd.s32 @!p0 $0x100000, s1;
	[bflag:$0x2] =	sbarrier.arrive $0xFFFF  }
0x5c: {  	[sflag:s0] =	ssyncadd.tile.s32 @!p0 $0x1;
	_ =	shalt  }
.Lfunc_end1:
_tile_overlayer_lowered:
.L_overlay_start_2:
0x5d: {  	(tag) =	ssettag $0x2  }
0x5e: {  	s0 =	rddreg [dreg:$0x0];
	s2 =	stileid.u32  }
0x5f: {  	s1 =	rddreg [dreg:$0x1];
	p0 =	sne.s32 s2, $0x0  }
0x60: {  	s3 =	rddreg [dreg:$0x2];
	[bflag:$0x3] =	sbarrier.arrive $0xFFFF;
	s2 =	simm.s32 @!p0 $0x1C01  }
0x61: {  	[timem:s3], [sflag:s2] =	dma.local @!p0 [hbm:s0], s1  }
0x62: {  	s0 =	simm.s32 @!p0 $0x1  }
0x63: {  	_ =	swait.ge @!p0 [sflag:s0], s1  }
0x64: {  	s1 =	ssub.s32 @!p0 $0x0, s1;
	[sflag:s0] =	ssyncset.done @!p0 $0x0  }
0x65: {  	[sflag:s0] =	ssyncadd.s32 @!p0 s1  }
0x66: {  	[bflag:$0x3] =	sbarrier.arrive $0xFFFF  }
0x67: {  	_ =	shalt  }

// kernel: sparse-core-data-format-call.2.cloned.1.call-start
scs
called_computation.2_lowered:
.L_overlay_start_0:
0x0: {  	s1 =	sld [smem:$0x3FD9]  }
0x1: {  	s2 =	sld [smem:$0x3FFE];
	_ =	sdelay $0x1  }
0x2: {  	s3 =	srdreg.scid  }
0x3: {  	s0 =	sand.u32 $0x1, s3  }
0x4: {  	s17 =	sshll.u32 s0, $0xA;
	s1 =	sadd.s32 s2, s1  }
0x5: {  	s1 =	sadd.s32 s1, s17  }
0x6: {  	[smem:$0x3FC7] =	sst s1  }
0x7: {  	_ = 	snop  }
0x8: {  	(tm) =	ssettm $0x1  }
0x9: {  	s18 =	sld [smem:$0x3FFB];
	_ =	sdelay $0x3  }
0xa: {  	_ =	strace s18  }
0xb: {  	s1 =	sld [smem:$0x3FFC];
	_ =	sdelay $0x3  }
0xc: {  	_ =	strace s1  }
0xd: {  	s1 =	sld [smem:$0x3FFD];
	_ =	sdelay $0x3  }
0xe: {  	_ =	strace s1  }
0xf: {  	_ =	strace $0x8FFFFFFF  }
0x10: {  	s19 =	sld [smem:$0x3FDB];
	_ =	sdelay $0x1  }
0x11: {  	s20 =	simm.s32 $_scs_section_size  }
0x12: {  	s4 =	simm.s32 $_size__tile_overlayer_lowered;
	s5 =	simm.s32 $_tile_overlayer_lowered  }
0x13: {  	s23 =	simm.s32 $0x1BFF;
	s22 =	sshll.u32 s5, $0x1;
	s1 =	sadd.s32 s20, s19  }
0x14: {  	s6 =	simm.s32 $0x0;
	s21 =	sshll.u32 s4, $0x1;
	s4 =	sadd.s32 s22, s1  }
0x15: {  	[timem:s6], [sflag:s23] =	dma.local [hbm:s4], s21  }
0x16: {  	_ =	swait.ge [sflag:s23], s21  }
0x17: {  	s2 =	ssub.s32 $0x0, s21;
	[sflag:s23] =	ssyncset.done $0x0  }
0x18: {  	[sflag:s23] =	ssyncadd.s32 s2;
	_ =	sdelay $0x1  }
0x19: {  	s24 =	simm.s32 $0x1B8B  }
0x1a: {  	_ =	swait.ge [sflag:s24], $0x1  }
0x1b: {  	[sflag:s24] =	ssyncset.done $0x0  }
0x1c: {  	s26 =	simm.s32 $0x1B8E;
	s25 =	sld [smem:$0x3FFE];
	[sflag:s24] =	ssyncadd.s32 $0xFFFFFFFF  }
0x1d: {  	s27 =	simm.s32 $execute0_lowered;
	[smem:$0x3FD2] =	sst s26  }
0x1e: {  	s4 =	sshll.u32 s27, $0x1;
	_ =	strace $0x80000049;
	[dreg:$0x1] =	wrdreg $0xFFFFFFFF  }
0x1f: {  	s28 =	simm.s32 $_size_execute0_lowered;
	s1 =	sadd.s32 s1, s4;
	[dreg:$0x0] =	wrdreg $0x0  }
0x20: {  	s4 =	sshll.u32 s28, $0x1;
	[dreg:$0x2] =	wrdreg s1  }
0x21: {  	[dreg:$0x3] =	wrdreg s4  }
0x22: {  	[dreg:$0x4] =	wrdreg $0xC0  }
0x23: {  	_ =	task [dreg:s6], $0x5FFFF  }
0x24: {  	[dreg:$0x1] =	wrdreg $0xFFFFFFFF  }
0x25: {  	[dreg:$0x0] =	wrdreg $0x60  }
0x26: {  	[dreg:$0x2] =	wrdreg s25  }
0x27: {  	[dreg:$0x3] =	wrdreg $0x9  }
0x28: {  	_ =	task.clear_ibuf [dreg:s6], $0x4FFFF;
	_ =	strace $0x90000049  }
0x29: {  	s29 =	simm.s32 $0x9;
	_ =	strace $0x8000004B  }
0x2a: {  	_ =	swait.ge [sflag:s29], $0x1  }
0x2b: {  	[sflag:s29] =	ssyncadd.s32 $0xFFFFFFFF  }
0x2c: {  	_ =	strace $0x9000004B  }
0x2d: {  	_ =	sfence  }
0x2e: {  	s30 =	sld [smem:$0x0];
	_ =	sdelay $0x2  }
0x2f: {  	s31 =	sshll.u32 s3, $0xD;
	s3 =	sshrl.u32 s3, $0x2  }
0x30: {  	s2 =	sand.u32 $0x4000, s31;
	s1 =	sadd.s32 s3, s30  }
0x31: {  	s0 =	sor.u32 s2, s0;
	s1 =	sshll.u32 s1, $0x11  }
0x32: {  	s0 =	sor.u32 s1, s0  }
0x33: {  	s0 =	sadd.s32 $0x8F2B, s0  }
0x34: {  	[sflag:s0] =	ssyncadd.remote.s32 $0x1  }
0x35: {  	_ =	sfence.sel $0xFFFF  }
0x36: {  	[dreg:$0x0] =	wrdreg $0xFFFFFFFF;
	(pc) =	sbr.abs _section_cstart, $3  }
0x37: {  	[dreg:$0x1] =	wrdreg $0xFFFFFFFF  }
0x38: {  	_ =	task.clear_ibuf [dreg:s6], $0x2FFFF;
	_ =	strace $0x9FFFFFFF  }
0x39: {  	(tm) =	ssettm $0x7FFFFFFF  }
tec
execute0_lowered:
.L_overlay_start_1:
0x0: {  	(tag) =	ssettag $0x1  }
0x1: {  	s2 =	rddreg [dreg:$0x0]  }
0x2: {  	s0 =	rddreg [dreg:$0x1]  }
0x3: {  	s1 =	srdreg.scid;
	_ =	strace $0x8000004A;
	s6 =	simm.s32 $0x2  }
0x4: {  	s15 =	simm.s32 $0x0;
	p0 =	por $0x0, $0x0;
	s14 =	simm.s32 $0x0  }
0x5: {  	s16 =	simm.s32 $0x0;
	s7 =	simm.s32 $0x0;
	s9 =	simm.s32 $0x0  }
.Ltmp0:
0x6: {  	s10 =	simm.s32 $0x0;
	s11 =	simm.s32 $0x0;
	(pc) =	sbr.rel .LBB1_1-.Ltmp0, $4  }
0x7: {  	s12 =	simm.s32 $0x0;
	s8 =	simm.s32 $0x0;
	s4 =	sshll.u32 s1, $0x4  }
0x8: {  	s1 =	stileid.u32;
	s5 =	sand.u32 $0x10, s4;
	s4 =	simm.s32 $0x1  }
0x9: {  	s3 =	sadd.s32 $0x1A38000, s2;
	s5 =	sor.u32 s1, s5;
	[sflag:s4] =	ssyncpa.u1 $0x0  }
0xa: {  	[sflag:s6] =	ssyncpa.u1 $0x0;
	s6 =	simm.s32 $0x20000;
	s13 =	smov.u32 s5  }
.LBB1_5:
0xb: {  	p1 =	slt.u32 s8, $0x2;
	s18 =	smov.u32 s16  }
0xc: {  	p2 =	sgt.s32 @!p1 s15, $0x28E;
	s17 =	sshra.s32 @!p1 s15, $0x1F;
	p3 =	sgt.s32 @!p1 s16, $0x7F  }
0xd: {  	s19 =	sshra.s32 @!p1 s16, $0x1F;
	p2 =	por !p2, p1;
	s17 =	sand.u32 @!p1 s17, s15  }
0xe: {  	p3 =	por !p3, p1;
	s16 =	sand.u32 @!p1 s19, s16;
	s19 =	sshra.s32 @!p1 s14, $0x1F  }
0xf: {  	s18 =	simm.s32 @p3 $0x7F;
	p3 =	sgt.s32 @!p1 s14, $0x380;
	s15 =	simm.s32 @p2 $0x28E  }
0x10: {  	s16 =	ssub.s32 @!p1 s18, s16;
	p3 =	por !p3, p1;
	s18 =	smov.u32 s14  }
0x11: {  	s14 =	sand.u32 @!p1 s19, s14;
	s15 =	ssub.s32 @!p1 s15, s17;
	s18 =	simm.s32 @p3 $0x380  }
0x12: {  	s17 =	sadd.s32 @!p1 $0xFFFFFF81, s16;
	s16 =	ssub.s32 @!p1 $0x80, s16;
	s14 =	ssub.s32 @!p1 s18, s14  }
0x13: {  	s18 =	sadd.s32 @!p1 $0xFFFFFD72, s15;
	p2 =	sgt.s32 @!p1 s17, $0x0;
	s17 =	sadd.s32 @!p1 $0xFFFFFC80, s14  }
0x14: {  	s15 =	ssub.s32 @!p1 $0x30E, s15;
	p2 =	por !p2, p1;
	p3 =	sgt.s32 @!p1 s17, $0x7F  }
0x15: {  	s14 =	ssub.s32 @!p1 $0x400, s14;
	s16 =	simm.s32 @!p2 $0x0;
	p2 =	por !p3, p1  }
0x16: {  	s17 =	sadd.s32 $0x80, s11;
	p3 =	sgt.s32 @!p1 s18, $0x7F;
	s14 =	simm.s32 @!p2 $0x0  }
0x17: {  	s18 =	smov.u32 s12;
	p2 =	por !p3, p1;
	s14 =	smul.u32 @!p1 s16, s14  }
0x18: {  	s15 =	simm.s32 @!p2 $0x0;
	p2 =	sgt.s32 s17, $0x30D;
	s16 =	sadd.s32 $0x80, s12  }
0x19: {  	s19 =	smov.u32 s13;
	s18 =	smov.u32 @p2 s16  }
0x1a: {  	s14 =	smul.u32 @!p1 s15, s14;
	p3 =	sgt.s32 s18, $0x3FF;
	s15 =	sadd.s32 $0x20, s13  }
0x1b: {  	s8 =	sadd.s32 $0x1, s8;
	p0 =	por !p0, !p0;
	s19 =	smov.u32 @p3 s15  }
0x1c: {  	s20 =	simm.s32 @!p1 $0x2;
	s17 =	simm.s32 @p2 $0x0;
	p2 =	sgt.s32 s19, $0x7F  }
0x1d: {  	s16 =	smov.u32 s10;
	s19 =	smov.u32 @p2 s5;
	p2 =	sne.s32 s8, $0xE2  }
.Ltmp1:
0x1e: {  	s10 =	smov.u32 s13;
	s18 =	simm.s32 @p3 $0x0;
	(pc) =	sbr.rel @!p2 .LBB1_6-.Ltmp1, $4  }
0x1f: {  	s15 =	smov.u32 s7;
	s7 =	smov.u32 s11;
	s14 =	sand.u32 @!p1 $0x3FFFFFFF, s14  }
0x20: {  	s11 =	smov.u32 s17;
	_ =	swait.ge @!p1 [sflag:s20], s14;
	s21 =	ssub.s32 @!p1 $0x0, s14  }
0x21: {  	s14 =	smov.u32 s9;
	s9 =	smov.u32 s12;
	[sflag:s20] =	ssyncset.done @!p1 $0x0  }
0x22: {  	s12 =	smov.u32 s18;
	s13 =	smov.u32 s19;
	[sflag:s20] =	ssyncadd.s32 @!p1 s21  }
.LBB1_1:
0x23: {  	p1 =	sgt.u32 s8, $0xDF  }
0x24: {  	s17 =	sshrl.u32 @!p1 s12, $0x3  }
0x25: {  	s18 =	sshll.u32 @!p1 s11, $0x3;
	s17 =	smul.u32 @!p1 $0x1C00, s17  }
0x26: {  	s19 =	sshll.u32 @!p1 s12, $0x7;
	s18 =	sand.u32 @!p1 $0xFFFFFC00, s18  }
0x27: {  	s17 =	sadd.s32 @!p1 s17, s18;
	s18 =	sand.u32 @!p1 $0x380, s19  }
0x28: {  	s17 =	sor.u32 @!p1 s18, s17  }
0x29: {  	s18 =	sshrl.u32 @!p1 s17, $0x7  }
0x2a: {  	s18 =	smulhi.u32 @!p1 $0x24924925, s18;
	_ =	sdelay $0x1  }
0x2b: {  	s20 =	sand.u32 @!p1 $0x7F, s11;
	s19 =	sxor.u32 @!p1 $0xFFFFFFFF, s8;
	s21 =	smul.u32 @!p1 $0x380, s18  }
0x2c: {  	s17 =	sor.u32 @!p1 s20, s17;
	s20 =	smul.u32 @!p1 $0x1C000, s13;
	s18 =	sand.u32 @!p1 $0x3FF, s18  }
0x2d: {  	s19 =	sshll.u32 @!p1 s19, $0xE;
	s18 =	smul.u32 @!p1 $0x70, s18;
	s17 =	ssub.s32 @!p1 s17, s21  }
0x2e: {  	s19 =	sand.u32 @!p1 $0x4000, s19;
	s20 =	sadd.s32 @!p1 s3, s20;
	s21 =	sand.u32 @!p1 $0x7, s17  }
0x2f: {  	s17 =	sshrl.u32 @!p1 s17, $0x3;
	s18 =	sadd.s32 @!p1 s18, s20;
	s20 =	sshll.u32 @!p1 s21, $0x12  }
0x30: {  	s17 =	sadd.s32 @!p1 s17, s18;
	s18 =	sor.u32 @!p1 $0x400, s20;
	s20 =	simm.s32 @!p1 $0x1C00  }
0x31: {  	[tilespmem:s19], [sflag:$0x1] =	stream.strided.gather @!p1 [hbm4b:s17+s18], $0x4000, s20, s18, $0x38;
	[tilespmem:$0x10100] =	vst v63  }
0x32: {  	p1 =	seq.s32 s8, $0x0  }
0x33: {  	p2 =	seq.s32 @!p1 s8, $0xE1  }
0x34: {  	p1 =	por p1, p2  }
.Ltmp2:
0x35: {  	_ = 	snop;
	(pc) =	sbr.rel @p1 .LBB1_5-.Ltmp2, $1  }
0x36: {  	_ =	sdelay $0x3  }
0x37: {  	s17 =	simm.s32 $0x1  }
0x38: {  	_ =	swait.ge [sflag:s4], $0x4000;
	s17 =	simm.s32 @!p0 $0x0  }
0x39: {  	[sflag:s4] =	ssyncset.done $0x0;
	s18 =	sshll.u32 s17, $0xE  }
0x3a: {  	[sflag:s4] =	ssyncadd.s32 $0xFFFFC000;
	s18 =	sor.u32 $0x40, s18  }
0x3b: {  	s17 =	smul.u32 $0x10200, s17;
	v0 =	vld [tilespmem:s18+$0x30]  }
0x3c: {  	v1 =	vld [tilespmem:s18+$0xFFFFFFD0]  }
0x3d: {  	s17 =	sshrl.u32 s17, $0x2;
	v5 =	vld [tilespmem:s18+$0xFFFFFFE0]  }
0x3e: {  	v6 =	vld [tilespmem:s18+$0xFFFFFFF0];
	s20 =	sor.u32 $0x8000, s17  }
0x3f: {  	s31 =	sand.u32 $0x1, s8;
	v4 =	vld [tilespmem:s18+$0x0];
	s19 =	sadd.s32 $0x0, s20  }
0x40: {  	v3 =	vld [tilespmem:s18+$0x10];
	s17 =	smul.u32 $0x10200, s31;
	[tilespmem:s19+$0x3870 ss:$0x81] =	vst.msk $0xffff, v0  }
0x41: {  	v2 =	vld [tilespmem:s18+$0x20];
	[tilespmem:s19+$0x810 ss:$0x81] =	vst.msk $0xffff, v1  }
0x42: {  	s17 =	sshrl.u32 s17, $0x2;
	v1 =	vld [tilespmem:s18+$0xFFFFFFC0];
	[tilespmem:s19+$0x1020 ss:$0x81] =	vst.msk $0xffff, v5;
	s18 =	sadd.s32 $0x80, s18  }
0x43: {  	s21 =	simm.s32 $0x4;
	s22 =	simm.s32 $0x8;
	s17 =	sor.u32 $0x8000, s17;
	[tilespmem:s19+$0x1830 ss:$0x81] =	vst.msk $0xffff, v6;
	v0 =	vld [tilespmem:s18+$0x30]  }
.LBB1_3:
0x44: {  	p1 =	sne.s32 s22, $0x1FC;
	v5 =	vld [tilespmem:s18+$0xFFFFFFD0];
	[tilespmem:s19+$0x2040 ss:$0x81] =	vst.msk $0xffff, v4  }
0x45: {  	v6 =	vld [tilespmem:s18+$0xFFFFFFE0];
	[tilespmem:s19+$0x2850 ss:$0x81] =	vst.msk $0xffff, v3  }
0x46: {  	s23 =	sshra.s32 s21, $0x2;
	s21 =	smov.u32 s22;
	v7 =	vld [tilespmem:s18+$0xFFFFFFF0];
	[tilespmem:s19+$0x3060 ss:$0x81] =	vst.msk $0xffff, v2  }
.Ltmp3:
0x47: {  	v4 =	vld [tilespmem:s18+$0x0];
	[tilespmem:s19+$0x0 ss:$0x81] =	vst.msk $0xffff, v1;
	s19 =	sadd.s32 s23, s20;
	(pc) =	sbr.rel @p1 .LBB1_3-.Ltmp3, $4  }
0x48: {  	v3 =	vld [tilespmem:s18+$0x10];
	[tilespmem:s19+$0x3870 ss:$0x81] =	vst.msk $0xffff, v0  }
0x49: {  	[tilespmem:s19+$0x810 ss:$0x81] =	vst.msk $0xffff, v5;
	v2 =	vld [tilespmem:s18+$0x20]  }
0x4a: {  	v1 =	vld [tilespmem:s18+$0xFFFFFFC0];
	[tilespmem:s19+$0x1020 ss:$0x81] =	vst.msk $0xffff, v6;
	s18 =	sadd.s32 $0x80, s18  }
0x4b: {  	s22 =	sadd.s32 $0x4, s22;
	v0 =	vld [tilespmem:s18+$0x30];
	[tilespmem:s19+$0x1830 ss:$0x81] =	vst.msk $0xffff, v7  }
0x4c: {  	s21 =	sshra.s32 s21, $0x2;
	p1 =	sgt.s32 s7, $0x28E;
	s22 =	smov.u32 s7  }
0x4d: {  	s23 =	smov.u32 s10;
	s24 =	sshra.s32 s10, $0x1F;
	s26 =	sshra.s32 s9, $0x1F  }
0x4e: {  	s27 =	sshra.s32 s7, $0x1F;
	s22 =	simm.s32 @!p1 $0x28E;
	p1 =	sgt.s32 s10, $0x7F  }
0x4f: {  	s28 =	sand.u32 $0x78, s9;
	s25 =	sand.u32 s24, s10;
	s23 =	simm.s32 @!p1 $0x7F  }
0x50: {  	s20 =	sadd.s32 s21, s20;
	s24 =	sand.u32 s26, s9;
	s21 =	ssub.s32 s23, s25  }
0x51: {  	v5 =	vld [tilespmem:s18+$0xFFFFFFD0];
	[tilespmem:s19+$0x2040 ss:$0x81] =	vst.msk $0xffff, v4;
	p1 =	sgt.s32 s9, $0x380;
	s23 =	smov.u32 s9;
	s25 =	sadd.s32 $0xFFFFFF81, s21  }
0x52: {  	v58 =	vld [tilespmem:s18+$0xFFFFFFE0];
	[tilespmem:s19+$0x2850 ss:$0x81] =	vst.msk $0xffff, v3;
	s23 =	simm.s32 @!p1 $0x380;
	p1 =	sgt.s32 s25, $0x0;
	s25 =	sand.u32 s27, s7  }
0x53: {  	v59 =	vld [tilespmem:s18+$0xFFFFFFF0];
	[tilespmem:s19+$0x3060 ss:$0x81] =	vst.msk $0xffff, v2;
	s21 =	ssub.s32 $0x80, s21;
	s23 =	ssub.s32 s23, s24;
	s29 =	ssub.s32 s22, s25  }
0x54: {  	v60 =	vld [tilespmem:s18+$0x0];
	[tilespmem:s19+$0x0 ss:$0x81] =	vst.msk $0xffff, v1;
	s21 =	simm.s32 @p1 $0x0;
	s30 =	sadd.s32 $0xFFFFFC80, s23;
	s23 =	ssub.s32 $0x400, s23  }
0x55: {  	v61 =	vld [tilespmem:s18+$0x10];
	[tilespmem:s20+$0x3870 ss:$0x81] =	vst.msk $0xffff, v0;
	s25 =	sshll.u32 s10, $0x7;
	p1 =	sgt.s32 s30, $0x7F;
	s31 =	sadd.s32 $0xFFFFFD72, s29  }
0x56: {  	v62 =	vld [tilespmem:s18+$0x20];
	[tilespmem:s20+$0x810 ss:$0x81] =	vst.msk $0xffff, v5;
	s27 =	sand.u32 $0x380, s25;
	s19 =	ssub.s32 $0x30E, s29;
	s22 =	sand.u32 $0x3C00, s25  }
0x57: {  	v63 =	vld [tilespmem:s18+$0xFFFFFFC0];
	[tilespmem:s20+$0x1020 ss:$0x81] =	vst.msk $0xffff, v58;
	s29 =	sand.u32 $0x7, s9;
	s23 =	simm.s32 @p1 $0x0;
	p1 =	sgt.s32 s31, $0x7F  }
0x58: {  	[tilespmem:s20+$0x1830 ss:$0x81] =	vst.msk $0xffff, v59;
	s22 =	sadd.s32 s9, s22;
	s26 =	smul.u32 s21, s23;
	s21 =	sor.u32 s28, s27  }
.Ltmp4:
0x59: {  	[tilespmem:s20+$0x2040 ss:$0x81] =	vst.msk $0xffff, v60;
	s19 =	simm.s32 @p1 $0x0;
	s28 =	sshll.u32 s7, $0xE;
	(pc) =	sbr.rel .LBB1_5-.Ltmp4, $4  }
0x5a: {  	[tilespmem:s20+$0x2850 ss:$0x81] =	vst.msk $0xffff, v61;
	s21 =	sshrl.u32 s21, $0x3;
	s18 =	smul.u32 s19, s26;
	s19 =	sadd.s32 s2, s28  }
0x5b: {  	[tilespmem:s20+$0x3060 ss:$0x81] =	vst.msk $0xffff, v62;
	s30 =	sshll.u32 s29, $0x12;
	s22 =	sand.u32 $0x3F80, s22;
	s19 =	sadd.s32 s21, s19  }
0x5c: {  	[tilespmem:s20+$0x0 ss:$0x81] =	vst.msk $0xffff, v63;
	s31 =	sor.u32 $0x80, s30;
	s18 =	sand.u32 $0x3FFFFFFF, s18;
	s19 =	sadd.s32 s22, s19  }
0x5d: {  	[hbm4b:s19+s31] =	stream.strided.scatter [tilespmem:s17], [sflag:$0x2], s18, s6, s31, $0x20;
	[tilespmem:$0x10100] =	vst v63  }
.LBB1_6:
0x5e: {  	_ =	sfence.sel $0x180000  }
0x5f: {  	s2 =	simm.s32 $0x1;
	[bflag:$0x0] =	sbarrier.arrive $0xFFFF  }
0x60: {  	s31 =	simm.s32 $0x2;
	[sflag:s2] =	ssyncpa.u1 $0x1  }
0x61: {  	[sflag:s31] =	ssyncpa.u1 $0x1  }
0x62: {  	p0 =	sne.s32 s1, $0x0;
	_ =	strace $0x9000004A  }
0x63: {  	s0 =	sadd.s32 @!p0 $0x100000, s0;
	[bflag:$0x2] =	sbarrier.arrive $0xFFFF  }
0x64: {  	[sflag:s0] =	ssyncadd.tile.s32 @!p0 $0x1;
	_ =	shalt  }
.Lfunc_end1:
_tile_overlayer_lowered:
.L_overlay_start_2:
0x65: {  	(tag) =	ssettag $0x2  }
0x66: {  	s0 =	rddreg [dreg:$0x0];
	s2 =	stileid.u32  }
0x67: {  	s1 =	rddreg [dreg:$0x1];
	p0 =	sne.s32 s2, $0x0  }
0x68: {  	s3 =	rddreg [dreg:$0x2];
	[bflag:$0x3] =	sbarrier.arrive $0xFFFF;
	s2 =	simm.s32 @!p0 $0x1C01  }
0x69: {  	[timem:s3], [sflag:s2] =	dma.local @!p0 [hbm:s0], s1  }
0x6a: {  	s0 =	simm.s32 @!p0 $0x1  }
0x6b: {  	_ =	swait.ge @!p0 [sflag:s0], s1  }
0x6c: {  	s1 =	ssub.s32 @!p0 $0x0, s1;
	[sflag:s0] =	ssyncset.done @!p0 $0x0  }
0x6d: {  	[sflag:s0] =	ssyncadd.s32 @!p0 s1  }
0x6e: {  	[bflag:$0x3] =	sbarrier.arrive $0xFFFF  }
0x6f: {  	_ =	shalt  }

// kernel: sparse-core-data-format-call.3.cloned.1.call-start
scs
called_computation.3_lowered:
.L_overlay_start_0:
0x0: {  	s1 =	sld [smem:$0x3FD9]  }
0x1: {  	s2 =	sld [smem:$0x3FFE];
	_ =	sdelay $0x1  }
0x2: {  	s3 =	srdreg.scid  }
0x3: {  	s0 =	sand.u32 $0x1, s3  }
0x4: {  	s17 =	sshll.u32 s0, $0xA;
	s1 =	sadd.s32 s2, s1  }
0x5: {  	s1 =	sadd.s32 s1, s17  }
0x6: {  	[smem:$0x3FC7] =	sst s1  }
0x7: {  	_ = 	snop  }
0x8: {  	(tm) =	ssettm $0x1  }
0x9: {  	s18 =	sld [smem:$0x3FFB];
	_ =	sdelay $0x3  }
0xa: {  	_ =	strace s18  }
0xb: {  	s1 =	sld [smem:$0x3FFC];
	_ =	sdelay $0x3  }
0xc: {  	_ =	strace s1  }
0xd: {  	s1 =	sld [smem:$0x3FFD];
	_ =	sdelay $0x3  }
0xe: {  	_ =	strace s1  }
0xf: {  	_ =	strace $0x8FFFFFFF  }
0x10: {  	s19 =	sld [smem:$0x3FDB];
	_ =	sdelay $0x1  }
0x11: {  	s20 =	simm.s32 $_scs_section_size  }
0x12: {  	s4 =	simm.s32 $_size__tile_overlayer_lowered;
	s5 =	simm.s32 $_tile_overlayer_lowered  }
0x13: {  	s23 =	simm.s32 $0x1BFF;
	s22 =	sshll.u32 s5, $0x1;
	s1 =	sadd.s32 s20, s19  }
0x14: {  	s6 =	simm.s32 $0x0;
	s21 =	sshll.u32 s4, $0x1;
	s4 =	sadd.s32 s22, s1  }
0x15: {  	[timem:s6], [sflag:s23] =	dma.local [hbm:s4], s21  }
0x16: {  	_ =	swait.ge [sflag:s23], s21  }
0x17: {  	s2 =	ssub.s32 $0x0, s21;
	[sflag:s23] =	ssyncset.done $0x0  }
0x18: {  	[sflag:s23] =	ssyncadd.s32 s2;
	_ =	sdelay $0x1  }
0x19: {  	s24 =	simm.s32 $0x1B8B  }
0x1a: {  	_ =	swait.ge [sflag:s24], $0x1  }
0x1b: {  	[sflag:s24] =	ssyncset.done $0x0  }
0x1c: {  	s26 =	simm.s32 $0x1B8E;
	s25 =	sld [smem:$0x3FFE];
	[sflag:s24] =	ssyncadd.s32 $0xFFFFFFFF  }
0x1d: {  	s27 =	simm.s32 $execute0_lowered;
	[smem:$0x3FD2] =	sst s26  }
0x1e: {  	s4 =	sshll.u32 s27, $0x1;
	_ =	strace $0x80000046;
	[dreg:$0x1] =	wrdreg $0xFFFFFFFF  }
0x1f: {  	s28 =	simm.s32 $_size_execute0_lowered;
	s1 =	sadd.s32 s1, s4;
	[dreg:$0x0] =	wrdreg $0x0  }
0x20: {  	s4 =	sshll.u32 s28, $0x1;
	[dreg:$0x2] =	wrdreg s1  }
0x21: {  	[dreg:$0x3] =	wrdreg s4  }
0x22: {  	[dreg:$0x4] =	wrdreg $0xC0  }
0x23: {  	_ =	task [dreg:s6], $0x5FFFF  }
0x24: {  	[dreg:$0x1] =	wrdreg $0xFFFFFFFF  }
0x25: {  	[dreg:$0x0] =	wrdreg $0x60  }
0x26: {  	[dreg:$0x2] =	wrdreg s25  }
0x27: {  	[dreg:$0x3] =	wrdreg $0x9  }
0x28: {  	_ =	task.clear_ibuf [dreg:s6], $0x4FFFF;
	_ =	strace $0x90000046  }
0x29: {  	s29 =	simm.s32 $0x9;
	_ =	strace $0x80000048  }
0x2a: {  	_ =	swait.ge [sflag:s29], $0x1  }
0x2b: {  	[sflag:s29] =	ssyncadd.s32 $0xFFFFFFFF  }
0x2c: {  	_ =	strace $0x90000048  }
0x2d: {  	_ =	sfence  }
0x2e: {  	s30 =	sld [smem:$0x0];
	_ =	sdelay $0x2  }
0x2f: {  	s31 =	sshll.u32 s3, $0xD;
	s3 =	sshrl.u32 s3, $0x2  }
0x30: {  	s2 =	sand.u32 $0x4000, s31;
	s1 =	sadd.s32 s3, s30  }
0x31: {  	s0 =	sor.u32 s2, s0;
	s1 =	sshll.u32 s1, $0x11  }
0x32: {  	s0 =	sor.u32 s1, s0  }
0x33: {  	s0 =	sadd.s32 $0x8F2B, s0  }
0x34: {  	[sflag:s0] =	ssyncadd.remote.s32 $0x1  }
0x35: {  	_ =	sfence.sel $0xFFFF  }
0x36: {  	[dreg:$0x0] =	wrdreg $0xFFFFFFFF;
	(pc) =	sbr.abs _section_cstart, $3  }
0x37: {  	[dreg:$0x1] =	wrdreg $0xFFFFFFFF  }
0x38: {  	_ =	task.clear_ibuf [dreg:s6], $0x2FFFF;
	_ =	strace $0x9FFFFFFF  }
0x39: {  	(tm) =	ssettm $0x7FFFFFFF  }
tec
execute0_lowered:
.L_overlay_start_1:
0x0: {  	(tag) =	ssettag $0x1  }
0x1: {  	s2 =	rddreg [dreg:$0x0]  }
0x2: {  	s0 =	rddreg [dreg:$0x1]  }
0x3: {  	s1 =	srdreg.scid;
	_ =	strace $0x80000047;
	s6 =	simm.s32 $0x2  }
0x4: {  	s13 =	simm.s32 $0x0;
	p0 =	por $0x0, $0x0;
	s11 =	simm.s32 $0x0  }
.Ltmp0:
0x5: {  	s12 =	simm.s32 $0x0;
	s8 =	simm.s32 $0x0;
	(pc) =	sbr.rel .LBB1_1-.Ltmp0, $4  }
0x6: {  	s10 =	simm.s32 $0x0;
	s7 =	simm.s32 $0x0;
	s4 =	sshll.u32 s1, $0x4  }
0x7: {  	s1 =	stileid.u32;
	s5 =	sand.u32 $0x10, s4;
	s4 =	simm.s32 $0x1  }
0x8: {  	s3 =	sadd.s32 $0xC38000, s2;
	s5 =	sor.u32 s1, s5;
	[sflag:s4] =	ssyncpa.u1 $0x0  }
0x9: {  	[sflag:s6] =	ssyncpa.u1 $0x0;
	s6 =	simm.s32 $0x1C00;
	s9 =	smov.u32 s5  }
.LBB1_5:
0xa: {  	s14 =	sadd.s32 $0x80, s8  }
0xb: {  	s11 =	sadd.s32 $0x20, s9;
	s15 =	smov.u32 s9;
	p2 =	sgt.s32 s14, $0x3FF  }
0xc: {  	s15 =	smov.u32 @p2 s11  }
0xd: {  	s17 =	smov.u32 s10;
	s11 =	sadd.s32 $0x80, s10;
	p3 =	sgt.s32 s15, $0x7F  }
0xe: {  	p1 =	slt.u32 s7, $0x2;
	s17 =	smov.u32 @p3 s11  }
0xf: {  	s7 =	sadd.s32 $0x1, s7;
	s14 =	simm.s32 @p2 $0x0;
	p2 =	sgt.s32 s17, $0x30D  }
0x10: {  	s17 =	simm.s32 @p2 $0x0;
	p2 =	sne.s32 s7, $0xE2  }
.Ltmp1:
0x11: {  	s16 =	simm.s32 @!p1 $0x2;
	(pc) =	sbr.rel @!p2 .LBB1_6-.Ltmp1, $4  }
0x12: {  	s13 =	smov.u32 s8;
	_ =	swait.ge @!p1 [sflag:s16], $0x4000  }
0x13: {  	s12 =	smov.u32 s10;
	p0 =	por !p0, !p0;
	[sflag:s16] =	ssyncset.done @!p1 $0x0  }
0x14: {  	s8 =	smov.u32 s14;
	s15 =	smov.u32 @p3 s5;
	s11 =	smov.u32 s9  }
0x15: {  	[sflag:s16] =	ssyncadd.s32 @!p1 $0xFFFFC000;
	s9 =	smov.u32 s15;
	s10 =	smov.u32 s17  }
.LBB1_1:
0x16: {  	p1 =	sgt.u32 s7, $0xDF  }
0x17: {  	p2 =	sgt.s32 @!p1 s10, $0x28E  }
0x18: {  	s14 =	smov.u32 s10;
	s15 =	sshra.s32 @!p1 s10, $0x1F;
	p2 =	por !p2, p1  }
0x19: {  	s17 =	smov.u32 s9;
	s15 =	sand.u32 @!p1 s15, s10;
	s14 =	simm.s32 @p2 $0x28E  }
0x1a: {  	s18 =	smov.u32 s8;
	p2 =	sgt.s32 @!p1 s9, $0x7F;
	s14 =	ssub.s32 @!p1 s14, s15  }
0x1b: {  	s19 =	sand.u32 @!p1 $0x78, s8;
	p2 =	por !p2, p1;
	s16 =	sadd.s32 @!p1 $0xFFFFFD72, s14  }
0x1c: {  	s17 =	simm.s32 @p2 $0x7F;
	p2 =	sgt.s32 @!p1 s16, $0x7F;
	s16 =	sshra.s32 @!p1 s9, $0x1F  }
0x1d: {  	s14 =	ssub.s32 @!p1 $0x30E, s14;
	p2 =	por !p2, p1;
	s16 =	sand.u32 @!p1 s16, s9  }
0x1e: {  	s14 =	simm.s32 @!p2 $0x0;
	s16 =	ssub.s32 @!p1 s17, s16;
	p2 =	sgt.s32 @!p1 s8, $0x380  }
0x1f: {  	s15 =	sxor.u32 @!p1 $0xFFFFFFFF, s7;
	s17 =	sadd.s32 @!p1 $0xFFFFFF81, s16;
	p2 =	por !p2, p1  }
0x20: {  	s18 =	simm.s32 @p2 $0x380;
	p2 =	sgt.s32 @!p1 s17, $0x0;
	s17 =	sshra.s32 @!p1 s8, $0x1F  }
0x21: {  	s16 =	ssub.s32 @!p1 $0x80, s16;
	p2 =	por !p2, p1;
	s17 =	sand.u32 @!p1 s17, s8  }
0x22: {  	s15 =	sshll.u32 @!p1 s15, $0xE;
	s16 =	simm.s32 @!p2 $0x0;
	s17 =	ssub.s32 @!p1 s18, s17  }
0x23: {  	s15 =	sand.u32 @!p1 $0x4000, s15;
	s14 =	smul.u32 @!p1 s14, s16;
	s16 =	sadd.s32 @!p1 $0xFFFFFC80, s17  }
0x24: {  	s18 =	sshll.u32 @!p1 s9, $0x7;
	s17 =	ssub.s32 @!p1 $0x400, s17;
	p2 =	sgt.s32 @!p1 s16, $0x7F  }
0x25: {  	s16 =	sand.u32 @!p1 $0x380, s18;
	s18 =	sand.u32 @!p1 $0x3C00, s18;
	p2 =	por !p2, p1  }
0x26: {  	s16 =	sor.u32 @!p1 s19, s16;
	s18 =	sadd.s32 @!p1 s8, s18;
	s17 =	simm.s32 @!p2 $0x0  }
0x27: {  	s19 =	sand.u32 @!p1 $0x7, s8;
	s14 =	smul.u32 @!p1 s17, s14;
	s17 =	sshll.u32 @!p1 s10, $0xE  }
0x28: {  	s18 =	sand.u32 @!p1 $0x3F80, s18;
	s16 =	sshrl.u32 @!p1 s16, $0x3;
	s17 =	sadd.s32 @!p1 s2, s17  }
0x29: {  	s14 =	sand.u32 @!p1 $0x3FFFFFFF, s14;
	s16 =	sadd.s32 @!p1 s16, s17;
	s17 =	sshll.u32 @!p1 s19, $0x12  }
0x2a: {  	s16 =	sadd.s32 @!p1 s18, s16;
	s17 =	sor.u32 @!p1 $0x80, s17;
	s18 =	simm.s32 @!p1 $0x20000  }
0x2b: {  	[tilespmem:s15], [sflag:$0x1] =	stream.strided.gather @!p1 [hbm4b:s16+s17], s14, s18, s17, $0x38;
	[tilespmem:$0x10100] =	vst v63  }
0x2c: {  	p1 =	seq.s32 s7, $0x0  }
0x2d: {  	p2 =	seq.s32 @!p1 s7, $0xE1  }
0x2e: {  	p1 =	por p1, p2  }
.Ltmp2:
0x2f: {  	_ = 	snop;
	(pc) =	sbr.rel @p1 .LBB1_5-.Ltmp2, $1  }
0x30: {  	_ =	sdelay $0x3  }
0x31: {  	p1 =	sgt.s32 s12, $0x28E;
	s14 =	smov.u32 s12;
	s15 =	sshra.s32 s12, $0x1F  }
0x32: {  	s14 =	simm.s32 @!p1 $0x28E;
	s15 =	sand.u32 s15, s12  }
0x33: {  	s14 =	ssub.s32 s14, s15  }
0x34: {  	p2 =	sgt.s32 s11, $0x7F;
	s16 =	sshra.s32 s11, $0x1F;
	s15 =	sadd.s32 $0xFFFFFD72, s14  }
0x35: {  	s17 =	sshra.s32 s13, $0x1F;
	p1 =	sgt.s32 s15, $0x7F;
	s15 =	smov.u32 s11  }
0x36: {  	s16 =	sand.u32 s16, s11;
	s17 =	sand.u32 s17, s13;
	s15 =	simm.s32 @!p2 $0x7F  }
0x37: {  	p2 =	sgt.s32 s13, $0x380;
	s15 =	ssub.s32 s15, s16;
	s16 =	smov.u32 s13  }
0x38: {  	s14 =	ssub.s32 $0x30E, s14;
	s18 =	sadd.s32 $0xFFFFFF81, s15;
	s16 =	simm.s32 @!p2 $0x380  }
0x39: {  	s15 =	ssub.s32 $0x80, s15;
	p2 =	sgt.s32 s18, $0x0;
	s16 =	ssub.s32 s16, s17  }
0x3a: {  	s14 =	simm.s32 @p1 $0x0;
	s15 =	simm.s32 @p2 $0x0;
	s17 =	sadd.s32 $0xFFFFFC80, s16  }
0x3b: {  	s14 =	smul.u32 s14, s15;
	p1 =	sgt.s32 s17, $0x7F;
	s15 =	ssub.s32 $0x400, s16  }
0x3c: {  	s15 =	simm.s32 @p1 $0x0  }
0x3d: {  	s14 =	smul.u32 s15, s14;
	_ =	sdelay $0x1  }
0x3e: {  	s15 =	simm.s32 $0x1;
	s14 =	sand.u32 $0x3FFFFFFF, s14  }
0x3f: {  	s15 =	simm.s32 @!p0 $0x0;
	_ =	swait.ge [sflag:s4], s14  }
0x40: {  	s28 =	sshll.u32 s15, $0xE;
	s14 =	ssub.s32 $0x0, s14;
	[sflag:s4] =	ssyncset.done $0x0  }
0x41: {  	s29 =	sor.u32 $0x40, s28;
	[sflag:s4] =	ssyncadd.s32 s14  }
0x42: {  	s30 =	smul.u32 $0x10200, s15;
	v0 =	vld [tilespmem:s29+$0x30]  }
0x43: {  	v1 =	vld [tilespmem:s29+$0xFFFFFFD0]  }
0x44: {  	s14 =	sshrl.u32 s30, $0x2;
	v5 =	vld [tilespmem:s29+$0xFFFFFFE0]  }
0x45: {  	s15 =	sor.u32 $0x8000, s14;
	v6 =	vld [tilespmem:s29+$0xFFFFFFF0]  }
0x46: {  	s31 =	sand.u32 $0x1, s7;
	v4 =	vld [tilespmem:s29+$0x0];
	s16 =	sadd.s32 $0x0, s15  }
0x47: {  	s14 =	smul.u32 $0x10200, s31;
	v3 =	vld [tilespmem:s29+$0x10];
	[tilespmem:s16+$0x3870 ss:$0x81] =	vst.msk $0xffff, v0  }
0x48: {  	v2 =	vld [tilespmem:s29+$0x20];
	[tilespmem:s16+$0x810 ss:$0x81] =	vst.msk $0xffff, v1  }
0x49: {  	s17 =	sadd.s32 $0x80, s29;
	s14 =	sshrl.u32 s14, $0x2;
	v0 =	vld [tilespmem:s29+$0xFFFFFFC0];
	[tilespmem:s16+$0x1020 ss:$0x81] =	vst.msk $0xffff, v5  }
0x4a: {  	s19 =	simm.s32 $0x8;
	s18 =	simm.s32 $0x4;
	s14 =	sor.u32 $0x8000, s14;
	v1 =	vld [tilespmem:s17+$0x30];
	[tilespmem:s16+$0x1830 ss:$0x81] =	vst.msk $0xffff, v6  }
.LBB1_3:
0x4b: {  	p1 =	sne.s32 s19, $0x1FC;
	v5 =	vld [tilespmem:s17+$0xFFFFFFD0];
	[tilespmem:s16+$0x2040 ss:$0x81] =	vst.msk $0xffff, v4  }
0x4c: {  	v6 =	vld [tilespmem:s17+$0xFFFFFFE0];
	[tilespmem:s16+$0x2850 ss:$0x81] =	vst.msk $0xffff, v3  }
0x4d: {  	s20 =	sshra.s32 s18, $0x2;
	s18 =	smov.u32 s19;
	v7 =	vld [tilespmem:s17+$0xFFFFFFF0];
	[tilespmem:s16+$0x3060 ss:$0x81] =	vst.msk $0xffff, v2  }
.Ltmp3:
0x4e: {  	v4 =	vld [tilespmem:s17+$0x0];
	[tilespmem:s16+$0x0 ss:$0x81] =	vst.msk $0xffff, v0;
	s16 =	sadd.s32 s20, s15;
	(pc) =	sbr.rel @p1 .LBB1_3-.Ltmp3, $4  }
0x4f: {  	v3 =	vld [tilespmem:s17+$0x10];
	[tilespmem:s16+$0x3870 ss:$0x81] =	vst.msk $0xffff, v1  }
0x50: {  	[tilespmem:s16+$0x810 ss:$0x81] =	vst.msk $0xffff, v5;
	v2 =	vld [tilespmem:s17+$0x20]  }
0x51: {  	v0 =	vld [tilespmem:s17+$0xFFFFFFC0];
	[tilespmem:s16+$0x1020 ss:$0x81] =	vst.msk $0xffff, v6;
	s17 =	sadd.s32 $0x80, s17  }
0x52: {  	s19 =	sadd.s32 $0x4, s19;
	v1 =	vld [tilespmem:s17+$0x30];
	[tilespmem:s16+$0x1830 ss:$0x81] =	vst.msk $0xffff, v7  }
0x53: {  	s19 =	sshrl.u32 s13, $0x3  }
0x54: {  	s20 =	sshll.u32 s12, $0x3;
	s19 =	smul.u32 $0x1C00, s19  }
0x55: {  	v5 =	vld [tilespmem:s17+$0xFFFFFFD0];
	[tilespmem:s16+$0x2040 ss:$0x81] =	vst.msk $0xffff, v4;
	s24 =	sshll.u32 s13, $0x7;
	s20 =	sand.u32 $0xFFFFFC00, s20  }
0x56: {  	v58 =	vld [tilespmem:s17+$0xFFFFFFE0];
	[tilespmem:s16+$0x2850 ss:$0x81] =	vst.msk $0xffff, v3;
	s13 =	sand.u32 $0x380, s24;
	s19 =	sadd.s32 s20, s19  }
0x57: {  	s18 =	sshra.s32 s18, $0x2;
	v59 =	vld [tilespmem:s17+$0xFFFFFFF0];
	[tilespmem:s16+$0x3060 ss:$0x81] =	vst.msk $0xffff, v2;
	s13 =	sor.u32 s13, s19  }
0x58: {  	v60 =	vld [tilespmem:s17+$0x0];
	s15 =	sadd.s32 s18, s15;
	[tilespmem:s16+$0x0 ss:$0x81] =	vst.msk $0xffff, v0;
	s25 =	sshrl.u32 s13, $0x7  }
0x59: {  	v61 =	vld [tilespmem:s17+$0x10];
	[tilespmem:s15+$0x3870 ss:$0x81] =	vst.msk $0xffff, v1;
	s16 =	smulhi.u32 $0x24924925, s25  }
0x5a: {  	v62 =	vld [tilespmem:s17+$0x20];
	s11 =	smul.u32 $0x1C000, s11;
	[tilespmem:s15+$0x810 ss:$0x81] =	vst.msk $0xffff, v5  }
0x5b: {  	v63 =	vld [tilespmem:s17+$0xFFFFFFC0];
	s26 =	sand.u32 $0x7F, s12;
	[tilespmem:s15+$0x1020 ss:$0x81] =	vst.msk $0xffff, v58;
	s27 =	smul.u32 $0x380, s16;
	s28 =	sand.u32 $0x3FF, s16  }
0x5c: {  	[tilespmem:s15+$0x1830 ss:$0x81] =	vst.msk $0xffff, v59;
	s12 =	sor.u32 s26, s13;
	s13 =	smul.u32 $0x70, s28  }
.Ltmp4:
0x5d: {  	[tilespmem:s15+$0x2040 ss:$0x81] =	vst.msk $0xffff, v60;
	s12 =	ssub.s32 s12, s27;
	(pc) =	sbr.rel .LBB1_5-.Ltmp4, $4  }
0x5e: {  	s11 =	sadd.s32 s3, s11;
	[tilespmem:s15+$0x2850 ss:$0x81] =	vst.msk $0xffff, v61;
	s29 =	sand.u32 $0x7, s12  }
0x5f: {  	[tilespmem:s15+$0x3060 ss:$0x81] =	vst.msk $0xffff, v62;
	s12 =	sshrl.u32 s12, $0x3;
	s11 =	sadd.s32 s13, s11;
	s30 =	sshll.u32 s29, $0x12  }
0x60: {  	[tilespmem:s15+$0x0 ss:$0x81] =	vst.msk $0xffff, v63;
	s11 =	sadd.s32 s12, s11;
	s31 =	sor.u32 $0x400, s30  }
0x61: {  	[hbm4b:s11+s31] =	stream.strided.scatter [tilespmem:s14], [sflag:$0x2], $0x4000, s6, s31, $0x20;
	[tilespmem:$0x10100] =	vst v63  }
.LBB1_6:
0x62: {  	_ =	sfence.sel $0x180000  }
0x63: {  	s2 =	simm.s32 $0x1;
	[bflag:$0x0] =	sbarrier.arrive $0xFFFF  }
0x64: {  	s31 =	simm.s32 $0x2;
	[sflag:s2] =	ssyncpa.u1 $0x1  }
0x65: {  	[sflag:s31] =	ssyncpa.u1 $0x1  }
0x66: {  	p0 =	sne.s32 s1, $0x0;
	_ =	strace $0x90000047  }
0x67: {  	s0 =	sadd.s32 @!p0 $0x100000, s0;
	[bflag:$0x2] =	sbarrier.arrive $0xFFFF  }
0x68: {  	[sflag:s0] =	ssyncadd.tile.s32 @!p0 $0x1;
	_ =	shalt  }
.Lfunc_end1:
_tile_overlayer_lowered:
.L_overlay_start_2:
0x69: {  	(tag) =	ssettag $0x2  }
0x6a: {  	s0 =	rddreg [dreg:$0x0];
	s2 =	stileid.u32  }
0x6b: {  	s1 =	rddreg [dreg:$0x1];
	p0 =	sne.s32 s2, $0x0  }
0x6c: {  	s3 =	rddreg [dreg:$0x2];
	[bflag:$0x3] =	sbarrier.arrive $0xFFFF;
	s2 =	simm.s32 @!p0 $0x1C01  }
0x6d: {  	[timem:s3], [sflag:s2] =	dma.local @!p0 [hbm:s0], s1  }
0x6e: {  	s0 =	simm.s32 @!p0 $0x1  }
0x6f: {  	_ =	swait.ge @!p0 [sflag:s0], s1  }
0x70: {  	s1 =	ssub.s32 @!p0 $0x0, s1;
	[sflag:s0] =	ssyncset.done @!p0 $0x0  }
0x71: {  	[sflag:s0] =	ssyncadd.s32 @!p0 s1  }
0x72: {  	[bflag:$0x3] =	sbarrier.arrive $0xFFFF  }
0x73: {  	_ =	shalt  }

// kernel: sparse-core-data-format-call.cloned.1.call-start
scs
called_computation_lowered:
.L_overlay_start_0:
0x0: {  	s2 =	sld [smem:$0x3FD9]  }
0x1: {  	s3 =	sld [smem:$0x3FFE];
	_ =	sdelay $0x1  }
0x2: {  	s1 =	srdreg.scid  }
0x3: {  	s0 =	sand.u32 $0x1, s1  }
0x4: {  	s18 =	sshll.u32 s0, $0xA;
	s2 =	sadd.s32 s3, s2  }
0x5: {  	s2 =	sadd.s32 s2, s18  }
0x6: {  	[smem:$0x3FC7] =	sst s2  }
0x7: {  	_ = 	snop  }
0x8: {  	s2 =	sld [smem:$0x3FD0];
	(tm) =	ssettm $0x1  }
0x9: {  	s19 =	sld [smem:$0x3FFB];
	_ =	sdelay $0x3  }
0xa: {  	_ =	strace s19  }
0xb: {  	s3 =	sld [smem:$0x3FFC];
	_ =	sdelay $0x3  }
0xc: {  	_ =	strace s3  }
0xd: {  	s3 =	sld [smem:$0x3FFD];
	_ =	sdelay $0x3  }
0xe: {  	_ =	strace s3  }
0xf: {  	_ =	strace $0x8FFFFFFF  }
0x10: {  	s20 =	sld [smem:$0x3FDB];
	_ =	sdelay $0x1  }
0x11: {  	s4 =	simm.s32 $_scs_section_size  }
0x12: {  	s5 =	simm.s32 $_size__tile_overlayer_lowered;
	s6 =	simm.s32 $_tile_overlayer_lowered  }
0x13: {  	s23 =	simm.s32 $0x1BFF;
	s22 =	sshll.u32 s6, $0x1;
	s3 =	sadd.s32 s4, s20  }
0x14: {  	s7 =	simm.s32 $0x0;
	s21 =	sshll.u32 s5, $0x1;
	s5 =	sadd.s32 s22, s3  }
0x15: {  	[timem:s7], [sflag:s23] =	dma.local [hbm:s5], s21  }
0x16: {  	_ =	swait.ge [sflag:s23], s21  }
0x17: {  	s4 =	ssub.s32 $0x0, s21;
	[sflag:s23] =	ssyncset.done $0x0  }
0x18: {  	[sflag:s23] =	ssyncadd.s32 s4;
	_ =	sdelay $0x1  }
0x19: {  	s24 =	simm.s32 $0x1B8B  }
0x1a: {  	_ =	swait.ge [sflag:s24], $0x1  }
0x1b: {  	[sflag:s24] =	ssyncset.done $0x0  }
0x1c: {  	s26 =	simm.s32 $0x1B8E;
	s25 =	sld [smem:$0x3FFE];
	[sflag:s24] =	ssyncadd.s32 $0xFFFFFFFF  }
0x1d: {  	s27 =	simm.s32 $execute0_lowered;
	[smem:$0x3FD2] =	sst s26  }
0x1e: {  	s5 =	sshll.u32 s27, $0x1;
	_ =	strace $0x80000052;
	[dreg:$0x1] =	wrdreg $0xFFFFFFFF  }
0x1f: {  	s28 =	simm.s32 $_size_execute0_lowered;
	s3 =	sadd.s32 s3, s5;
	[dreg:$0x0] =	wrdreg $0x0  }
0x20: {  	s5 =	sshll.u32 s28, $0x1;
	[dreg:$0x2] =	wrdreg s3  }
0x21: {  	[dreg:$0x3] =	wrdreg s5  }
0x22: {  	[dreg:$0x4] =	wrdreg $0xC0  }
0x23: {  	_ =	task [dreg:s7], $0x5FFFF  }
0x24: {  	[dreg:$0x1] =	wrdreg $0xFFFFFFFF  }
0x25: {  	[dreg:$0x0] =	wrdreg $0x60  }
0x26: {  	[dreg:$0x2] =	wrdreg s25  }
0x27: {  	[dreg:$0x3] =	wrdreg s2  }
0x28: {  	[dreg:$0x4] =	wrdreg $0x9  }
0x29: {  	_ =	task.clear_ibuf [dreg:s7], $0x5FFFF;
	_ =	strace $0x90000052  }
0x2a: {  	s29 =	simm.s32 $0x9;
	_ =	strace $0x80000054  }
0x2b: {  	_ =	swait.ge [sflag:s29], $0x1  }
0x2c: {  	[sflag:s29] =	ssyncadd.s32 $0xFFFFFFFF  }
0x2d: {  	_ =	strace $0x90000054  }
0x2e: {  	_ =	sfence  }
0x2f: {  	s30 =	sld [smem:$0x0];
	_ =	sdelay $0x2  }
0x30: {  	s31 =	sshll.u32 s1, $0xD;
	s1 =	sshrl.u32 s1, $0x2  }
0x31: {  	s3 =	sand.u32 $0x4000, s31;
	s1 =	sadd.s32 s1, s30  }
0x32: {  	s0 =	sor.u32 s3, s0;
	s1 =	sshll.u32 s1, $0x11  }
0x33: {  	s0 =	sor.u32 s1, s0  }
0x34: {  	s0 =	sadd.s32 $0x8F2B, s0  }
0x35: {  	[sflag:s0] =	ssyncadd.remote.s32 $0x1  }
0x36: {  	_ =	sfence.sel $0xFFFF  }
0x37: {  	[dreg:$0x0] =	wrdreg $0xFFFFFFFF;
	(pc) =	sbr.abs _section_cstart, $3  }
0x38: {  	[dreg:$0x1] =	wrdreg $0xFFFFFFFF  }
0x39: {  	_ =	task.clear_ibuf [dreg:s7], $0x2FFFF;
	_ =	strace $0x9FFFFFFF  }
0x3a: {  	(tm) =	ssettm $0x7FFFFFFF  }
0x3b: {  	_ =	shalt  }
tec
execute0_lowered:
.L_overlay_start_1:
0x0: {  	(tag) =	ssettag $0x1  }
0x1: {  	s0 =	stileid.u32  }
0x2: {  	s2 =	srdreg.scid;
	s7 =	rddreg [dreg:$0x0]  }
0x3: {  	s6 =	simm.s32 $0x1;
	s31 =	simm.s32 $0x2;
	s16 =	simm.s32 $0x0  }
0x4: {  	s9 =	simm.s32 $0x2000;
	s15 =	simm.s32 $0x0;
	s10 =	simm.s32 $0x0  }
0x5: {  	s11 =	simm.s32 $0x0;
	s14 =	simm.s32 $0x0;
	s1 =	sshll.u32 s0, $0x7  }
0x6: {  	s3 =	sshll.u32 s0, $0x4;
	s2 =	sshll.u32 s2, $0x8;
	s1 =	sand.u32 $0x380, s1  }
0x7: {  	s7 =	sadd.s32 $0xC35000, s7;
	s2 =	sor.u32 s3, s2;
	s5 =	ssub.s32 $0x400, s1  }
0x8: {  	s3 =	rddreg [dreg:$0x1];
	s4 =	sand.u32 $0x180, s2;
	s29 =	sand.u32 $0x380, s5  }
0x9: {  	s30 =	ssub.s32 $0x18680, s4;
	s5 =	sshrl.u32 s5, $0xA;
	p0 =	sne.s32 s29, $0x0  }
.Ltmp0:
0xa: {  	s8 =	sshrl.u32 s30, $0x9;
	s6 =	simm.s32 @!p0 $0x0;
	(pc) =	sbr.rel .LBB1_1-.Ltmp0, $4  }
0xb: {  	s2 =	rddreg [dreg:$0x2];
	s8 =	sadd.s32 $0x1, s8;
	s6 =	sadd.s32 s6, s5  }
0xc: {  	_ =	strace $0x80000053;
	s5 =	simm.s32 $0x1;
	s6 =	smul.u32 s6, s8  }
0xd: {  	s13 =	smov.u32 s1;
	s12 =	smov.u32 s4;
	[sflag:s5] =	ssyncpa.u1 $0x0  }
0xe: {  	p0 =	por $0x0, $0x0;
	[sflag:s31] =	ssyncpa.u1 $0x0;
	s8 =	sadd.s32 $0x1, s6  }
.LBB1_4:
0xf: {  	s21 =	sshra.s32 s21, $0x2;
	s27 =	sshll.u32 s10, $0xA;
	s22 =	sshll.u32 s11, $0x3  }
0x10: {  	s23 =	sshll.u32 s10, $0x7;
	s24 =	sand.u32 $0x78, s11;
	p1 =	sgt.s32 s10, $0x18620  }
0x11: {  	s25 =	sshra.s32 s10, $0x1F;
	s26 =	sshra.s32 s11, $0x1F;
	s20 =	sadd.s32 s21, s20  }
0x12: {  	v5 =	vld [tilespmem:s18+$0xFFFFFFD0];
	[tilespmem:s19+$0x2040 ss:$0x81] =	vst.msk $0xffff, v4;
	s21 =	sand.u32 $0xFFFFE000, s27;
	s22 =	sand.u32 $0xFFFFFC00, s22;
	s28 =	sand.u32 $0x380, s23  }
0x13: {  	v58 =	vld [tilespmem:s18+$0xFFFFFFE0];
	[tilespmem:s19+$0x2850 ss:$0x81] =	vst.msk $0xffff, v3;
	s23 =	smov.u32 s10;
	s30 =	sand.u32 s25, s10;
	s25 =	smov.u32 s11  }
0x14: {  	v59 =	vld [tilespmem:s18+$0xFFFFFFF0];
	[tilespmem:s19+$0x3060 ss:$0x81] =	vst.msk $0xffff, v2;
	s31 =	sand.u32 s26, s11;
	s21 =	sadd.s32 s22, s21;
	s22 =	sor.u32 s24, s28  }
0x15: {  	v60 =	vld [tilespmem:s18+$0x0];
	[tilespmem:s19+$0x0 ss:$0x81] =	vst.msk $0xffff, v1;
	s23 =	simm.s32 @!p1 $0x18620;
	p1 =	sgt.s32 s11, $0x380;
	s21 =	sshrl.u32 s21, $0xA  }
0x16: {  	v61 =	vld [tilespmem:s18+$0x10];
	[tilespmem:s20+$0x3870 ss:$0x81] =	vst.msk $0xffff, v0;
	s19 =	ssub.s32 s23, s30;
	s25 =	simm.s32 @!p1 $0x380;
	s29 =	smulhi.u32 $0x53E2D7, s21  }
0x17: {  	v62 =	vld [tilespmem:s18+$0x20];
	s23 =	ssub.s32 s25, s31;
	s26 =	sadd.s32 $0xFFFE79E0, s19;
	s19 =	ssub.s32 $0x186A0, s19;
	[tilespmem:s20+$0x810 ss:$0x81] =	vst.msk $0xffff, v5  }
0x18: {  	v63 =	vld [tilespmem:s18+$0xFFFFFFC0];
	[tilespmem:s20+$0x1020 ss:$0x81] =	vst.msk $0xffff, v58;
	p1 =	sgt.s32 s26, $0x7F;
	s28 =	sadd.s32 $0xFFFFFC80, s23;
	s24 =	sshrl.u32 s29, $0x7  }
0x19: {  	[tilespmem:s20+$0x1830 ss:$0x81] =	vst.msk $0xffff, v59;
	s23 =	ssub.s32 $0x400, s23;
	p2 =	sgt.s32 s28, $0x7F;
	s27 =	smul.u32 $0x186A0, s24  }
0x1a: {  	s30 =	sand.u32 $0x7, s11;
	[tilespmem:s20+$0x2040 ss:$0x81] =	vst.msk $0xffff, v60;
	s19 =	simm.s32 @p1 $0x0;
	s23 =	simm.s32 @p2 $0x0  }
0x1b: {  	[tilespmem:s20+$0x2850 ss:$0x81] =	vst.msk $0xffff, v61;
	s29 =	sshrl.u32 s22, $0x3;
	s19 =	smul.u32 s23, s19;
	s18 =	ssub.s32 s21, s27  }
0x1c: {  	[tilespmem:s20+$0x3060 ss:$0x81] =	vst.msk $0xffff, v62;
	s22 =	sshll.u32 s30, $0x12;
	s21 =	sadd.s32 s3, s29;
	s18 =	sshll.u32 s18, $0x7  }
0x1d: {  	[tilespmem:s20+$0x0 ss:$0x81] =	vst.msk $0xffff, v63;
	s31 =	sor.u32 $0x400, s22;
	s19 =	sand.u32 $0x3FFFFFFF, s19;
	s18 =	sadd.s32 s18, s21  }
0x1e: {  	[hbm4b:s18+s31] =	stream.strided.scatter [tilespmem:s17], [sflag:$0x2], s19, s9, s31, $0x20;
	[tilespmem:$0x10100] =	vst v63  }
.LBB1_5:
0x1f: {  	p1 =	slt.u32 s14, $0x2  }
0x20: {  	s18 =	smov.u32 s16;
	p2 =	sgt.s32 @!p1 s16, $0x18620;
	s17 =	sshra.s32 @!p1 s16, $0x1F  }
0x21: {  	p3 =	sgt.s32 @!p1 s15, $0x380;
	s19 =	sshra.s32 @!p1 s15, $0x1F;
	p2 =	por !p2, p1  }
0x22: {  	s16 =	sand.u32 @!p1 s17, s16;
	p3 =	por !p3, p1;
	s17 =	smov.u32 s15  }
0x23: {  	s15 =	sand.u32 @!p1 s19, s15;
	s18 =	simm.s32 @p2 $0x18620;
	s17 =	simm.s32 @p3 $0x380  }
0x24: {  	s16 =	ssub.s32 @!p1 s18, s16;
	s15 =	ssub.s32 @!p1 s17, s15  }
0x25: {  	s19 =	smov.u32 s13;
	s17 =	sadd.s32 @!p1 $0xFFFE79E0, s16;
	s18 =	sadd.s32 @!p1 $0xFFFFFC80, s15  }
0x26: {  	s16 =	ssub.s32 @!p1 $0x186A0, s16;
	p2 =	sgt.s32 @!p1 s17, $0x7F;
	p3 =	sgt.s32 @!p1 s18, $0x7F  }
0x27: {  	s15 =	ssub.s32 @!p1 $0x400, s15;
	p2 =	por !p2, p1;
	p3 =	por !p3, p1  }
0x28: {  	s17 =	sadd.s32 $0x200, s12;
	s16 =	simm.s32 @!p2 $0x0;
	s15 =	simm.s32 @!p3 $0x0  }
0x29: {  	p2 =	sgt.s32 s17, $0x1869F;
	s15 =	smul.u32 @!p1 s15, s16;
	s16 =	sadd.s32 $0x400, s13  }
0x2a: {  	s19 =	smov.u32 @p2 s16  }
0x2b: {  	s17 =	smov.u32 @p2 s4;
	p2 =	sgt.s32 s19, $0x3FF  }
0x2c: {  	s19 =	smov.u32 @p2 s1;
	p2 =	sne.s32 s14, s8  }
.Ltmp1:
0x2d: {  	p0 =	por !p0, !p0;
	s18 =	simm.s32 @!p1 $0x2;
	(pc) =	sbr.rel @!p2 .LBB1_6-.Ltmp1, $4  }
0x2e: {  	s16 =	smov.u32 s10;
	s10 =	smov.u32 s12;
	s15 =	sand.u32 @!p1 $0x3FFFFFFF, s15  }
0x2f: {  	s12 =	smov.u32 s17;
	_ =	swait.ge @!p1 [sflag:s18], s15;
	s20 =	ssub.s32 @!p1 $0x0, s15  }
0x30: {  	s15 =	smov.u32 s11;
	s14 =	sadd.s32 $0x1, s14;
	[sflag:s18] =	ssyncset.done @!p1 $0x0  }
0x31: {  	s11 =	smov.u32 s13;
	s13 =	smov.u32 s19;
	[sflag:s18] =	ssyncadd.s32 @!p1 s20  }
.LBB1_1:
0x32: {  	p1 =	sge.u32 s14, s6  }
0x33: {  	s17 =	sshrl.u32 @!p1 s13, $0x3  }
0x34: {  	s18 =	sshll.u32 @!p1 s12, $0x3;
	s17 =	smul.u32 @!p1 $0xC3800, s17  }
0x35: {  	s19 =	sshll.u32 @!p1 s13, $0x7;
	s18 =	sand.u32 @!p1 $0xFFFFFC00, s18  }
0x36: {  	s17 =	sadd.s32 @!p1 s17, s18;
	s18 =	sand.u32 @!p1 $0x380, s19  }
0x37: {  	s19 =	sand.u32 @!p1 $0x7F, s12;
	s17 =	sor.u32 @!p1 s18, s17  }
0x38: {  	s18 =	sor.u32 @!p1 s19, s17  }
0x39: {  	s19 =	smulhi.u32 @!p1 $0xA79C7B17, s18;
	_ =	sdelay $0x1  }
0x3a: {  	s17 =	smulhi.u32 @!p1 $0xA79C7B17, s17;
	s19 =	sshrl.u32 @!p1 s19, $0x10  }
0x3b: {  	s19 =	smul.u32 @!p1 $0x18700, s19  }
0x3c: {  	s31 =	sadd.s32 $0xFFFFFFFF, s14;
	s20 =	sxor.u32 @!p1 $0xFFFFFFFF, s14;
	s17 =	sshrl.u32 @!p1 s17, $0x10  }
0x3d: {  	s20 =	sshll.u32 @!p1 s20, $0xE;
	s17 =	sand.u32 @!p1 $0x3FF, s17;
	s18 =	ssub.s32 @!p1 s18, s19  }
0x3e: {  	s17 =	smul.u32 @!p1 $0x30E0, s17;
	s19 =	sshrl.u32 @!p1 s18, $0x3;
	s18 =	sand.u32 @!p1 $0x7, s18  }
0x3f: {  	s20 =	sand.u32 @!p1 $0x4000, s20;
	s19 =	sadd.s32 @!p1 s7, s19;
	s18 =	sshll.u32 @!p1 s18, $0x12  }
0x40: {  	s17 =	sadd.s32 @!p1 s17, s19;
	s18 =	sor.u32 @!p1 $0x400, s18;
	s19 =	simm.s32 @!p1 $0xC3800  }
0x41: {  	[tilespmem:s20], [sflag:$0x1] =	stream.strided.gather @!p1 [hbm4b:s17+s18], $0x4000, s19, s18, $0x38;
	[tilespmem:$0x10100] =	vst v63  }
0x42: {  	p1 =	sge.u32 s31, s6  }
.Ltmp2:
0x43: {  	_ = 	snop;
	(pc) =	sbr.rel @p1 .LBB1_5-.Ltmp2, $1  }
0x44: {  	_ =	sdelay $0x3  }
0x45: {  	s17 =	simm.s32 $0x1  }
0x46: {  	_ =	swait.ge [sflag:s5], $0x4000;
	s17 =	simm.s32 @!p0 $0x0  }
0x47: {  	[sflag:s5] =	ssyncset.done $0x0;
	s18 =	sshll.u32 s17, $0xE  }
0x48: {  	[sflag:s5] =	ssyncadd.s32 $0xFFFFC000;
	s18 =	sor.u32 $0x40, s18  }
0x49: {  	s17 =	smul.u32 $0x10200, s17;
	v0 =	vld [tilespmem:s18+$0x30]  }
0x4a: {  	v1 =	vld [tilespmem:s18+$0xFFFFFFD0]  }
0x4b: {  	s17 =	sshrl.u32 s17, $0x2;
	v5 =	vld [tilespmem:s18+$0xFFFFFFE0]  }
0x4c: {  	v6 =	vld [tilespmem:s18+$0xFFFFFFF0];
	s20 =	sor.u32 $0x8000, s17  }
0x4d: {  	s31 =	sand.u32 $0x1, s14;
	v4 =	vld [tilespmem:s18+$0x0];
	s19 =	sadd.s32 $0x0, s20  }
0x4e: {  	v3 =	vld [tilespmem:s18+$0x10];
	s17 =	smul.u32 $0x10200, s31;
	[tilespmem:s19+$0x3870 ss:$0x81] =	vst.msk $0xffff, v0  }
0x4f: {  	v2 =	vld [tilespmem:s18+$0x20];
	[tilespmem:s19+$0x810 ss:$0x81] =	vst.msk $0xffff, v1  }
0x50: {  	s17 =	sshrl.u32 s17, $0x2;
	v1 =	vld [tilespmem:s18+$0xFFFFFFC0];
	[tilespmem:s19+$0x1020 ss:$0x81] =	vst.msk $0xffff, v5;
	s18 =	sadd.s32 $0x80, s18  }
0x51: {  	s21 =	simm.s32 $0x4;
	s22 =	simm.s32 $0x8;
	s17 =	sor.u32 $0x8000, s17;
	[tilespmem:s19+$0x1830 ss:$0x81] =	vst.msk $0xffff, v6;
	v0 =	vld [tilespmem:s18+$0x30]  }
.LBB1_3:
0x52: {  	p1 =	sne.s32 s22, $0x1FC;
	v5 =	vld [tilespmem:s18+$0xFFFFFFD0];
	[tilespmem:s19+$0x2040 ss:$0x81] =	vst.msk $0xffff, v4  }
0x53: {  	v6 =	vld [tilespmem:s18+$0xFFFFFFE0];
	[tilespmem:s19+$0x2850 ss:$0x81] =	vst.msk $0xffff, v3  }
0x54: {  	s23 =	sshra.s32 s21, $0x2;
	s21 =	smov.u32 s22;
	v7 =	vld [tilespmem:s18+$0xFFFFFFF0];
	[tilespmem:s19+$0x3060 ss:$0x81] =	vst.msk $0xffff, v2  }
.Ltmp3:
0x55: {  	v4 =	vld [tilespmem:s18+$0x0];
	[tilespmem:s19+$0x0 ss:$0x81] =	vst.msk $0xffff, v1;
	s19 =	sadd.s32 s23, s20;
	(pc) =	sbr.rel @p1 .LBB1_3-.Ltmp3, $4  }
0x56: {  	v3 =	vld [tilespmem:s18+$0x10];
	[tilespmem:s19+$0x3870 ss:$0x81] =	vst.msk $0xffff, v0  }
0x57: {  	[tilespmem:s19+$0x810 ss:$0x81] =	vst.msk $0xffff, v5;
	v2 =	vld [tilespmem:s18+$0x20]  }
0x58: {  	v1 =	vld [tilespmem:s18+$0xFFFFFFC0];
	[tilespmem:s19+$0x1020 ss:$0x81] =	vst.msk $0xffff, v6;
	s18 =	sadd.s32 $0x80, s18  }
0x59: {  	s22 =	sadd.s32 $0x4, s22;
	v0 =	vld [tilespmem:s18+$0x30];
	[tilespmem:s19+$0x1830 ss:$0x81] =	vst.msk $0xffff, v7  }
.Ltmp4:
0x5a: {  	_ = 	snop;
	(pc) =	sbr.rel .LBB1_4-.Ltmp4, $1  }
0x5b: {  	_ =	sdelay $0x3  }
.LBB1_6:
0x5c: {  	_ =	sfence.sel $0x180000  }
0x5d: {  	s1 =	simm.s32 $0x1;
	[bflag:$0x0] =	sbarrier.arrive $0xFFFF  }
0x5e: {  	s31 =	simm.s32 $0x2;
	[sflag:s1] =	ssyncpa.u1 $0x1  }
0x5f: {  	[sflag:s31] =	ssyncpa.u1 $0x1  }
0x60: {  	p0 =	sne.s32 s0, $0x0;
	_ =	strace $0x90000053  }
0x61: {  	s0 =	sadd.s32 @!p0 $0x100000, s2;
	[bflag:$0x2] =	sbarrier.arrive $0xFFFF  }
0x62: {  	[sflag:s0] =	ssyncadd.tile.s32 @!p0 $0x1;
	_ =	shalt  }
.Lfunc_end1:
_tile_overlayer_lowered:
.L_overlay_start_2:
0x63: {  	(tag) =	ssettag $0x2  }
0x64: {  	s0 =	rddreg [dreg:$0x0];
	s2 =	stileid.u32  }
0x65: {  	s1 =	rddreg [dreg:$0x1];
	p0 =	sne.s32 s2, $0x0  }
0x66: {  	s3 =	rddreg [dreg:$0x2];
	[bflag:$0x3] =	sbarrier.arrive $0xFFFF;
	s2 =	simm.s32 @!p0 $0x1C01  }
0x67: {  	[timem:s3], [sflag:s2] =	dma.local @!p0 [hbm:s0], s1  }
0x68: {  	s0 =	simm.s32 @!p0 $0x1  }
0x69: {  	_ =	swait.ge @!p0 [sflag:s0], s1  }
0x6a: {  	s1 =	ssub.s32 @!p0 $0x0, s1;
	[sflag:s0] =	ssyncset.done @!p0 $0x0  }
0x6b: {  	[sflag:s0] =	ssyncadd.s32 @!p0 s1  }
0x6c: {  	[bflag:$0x3] =	sbarrier.arrive $0xFFFF  }
0x6d: {  	_ =	shalt  }

</sc_bundles>
